<compile_context>
chip_gen: v7x
topology: tpu7x:2x2x1
jax: 0.10.2.dev20260603
libtpu: 0.0.44.dev20260713+nightly
codegen_flags: <defaults>
</compile_context>

<pallas_src>
import jax
import jax.numpy as jnp
from jax import lax
from jax.experimental import pallas as pl
from jax.experimental.pallas import tpu as pltpu
from jax.experimental.pallas import tpu_sc as plsc

N = 10000
E = 320000
D_IN = 128
D_HID = 128
D_LAT = 64

NC = 2
NS = 16
TILES = NC * NS
CH = 80
CPT = 125
NPAD = 10240
RPT = NPAD // NS

_mesh = plsc.VectorSubcoreMesh(core_axis_name="c", subcore_axis_name="s")
_sc_params = pltpu.CompilerParams(needs_layout_passes=False)


def _hist_body(dst_hbm, out_hbm, didx, hist):
    c = lax.axis_index("c")
    s = lax.axis_index("s")
    wid = c * NS + s
    pltpu.sync_copy(dst_hbm.at[wid], didx)
    zero16 = jnp.zeros((16,), jnp.float32)
    one16 = jnp.ones((16,), jnp.float32)

    def zbody(i, _):
        hist[pl.ds(i * 16, 16)] = zero16
        return 0

    lax.fori_loop(0, N // 16, zbody, 0)

    def rbody(r, _):
        def cbody(j, _):
            idx = didx[r, pl.ds(j * 16, 16)]
            plsc.addupdate_scatter(hist, [idx], one16)
            return 0

        lax.fori_loop(0, CH // 16, cbody, 0)
        return 0

    lax.fori_loop(0, CPT, rbody, 0)
    pltpu.sync_copy(hist, out_hbm.at[wid, 0])


_sc_hist = pl.kernel(
    _hist_body,
    out_type=jax.ShapeDtypeStruct((TILES, 1, N), jnp.float32),
    mesh=_mesh,
    compiler_params=_sc_params,
    scratch_types=[
        pltpu.VMEM((CPT, CH), jnp.int32),
        pltpu.VMEM((N,), jnp.float32),
    ],
)


def _make_sc_agg(D):
    def body(p_hbm, src_hbm, dst_hbm, out_hbm, acc, didx, ss0, ss1, rows0,
             rows1, isem0, isem1, gsem0, gsem1):
        c = lax.axis_index("c")
        s = lax.axis_index("s")
        wid = c * NS + s

        pltpu.async_copy(src_hbm.at[wid, 0], ss0, isem0)
        pltpu.async_copy(src_hbm.at[wid, 1], ss1, isem1)
        pltpu.sync_copy(dst_hbm.at[wid], didx)

        zero16 = jnp.zeros((16,), jnp.float32)

        def zr_body(i, _):
            def zc_body(j, _):
                rows0[i, pl.ds(j * 16, 16)] = zero16
                return 0

            lax.fori_loop(0, D // 16, zc_body, 0)
            return 0

        lax.fori_loop(0, CH, zr_body, 0)

        def zd_body(k, _):
            pltpu.sync_copy(rows0, acc.at[pl.ds(s * RPT + k * CH, CH)])
            return 0

        lax.fori_loop(0, RPT // CH, zd_body, 0)
        plsc.subcore_barrier()

        def wait_i0():
            pltpu.make_async_copy(src_hbm.at[wid, 0], ss0, isem0).wait()

        def wait_i1():
            pltpu.make_async_copy(src_hbm.at[wid, 1], ss1, isem1).wait()

        def wait_g0():
            pltpu.make_async_copy(p_hbm.at[ss0], rows0, gsem0).wait()

        def wait_g1():
            pltpu.make_async_copy(p_hbm.at[ss1], rows1, gsem1).wait()

        wait_i0()
        pltpu.async_copy(p_hbm.at[ss0], rows0, gsem0)

        def e_body(k2, _):
            a = 2 * k2
            b = a + 1
            wait_i1()
            pltpu.async_copy(p_hbm.at[ss1], rows1, gsem1)
            wait_g0()
            pltpu.async_copy(src_hbm.at[wid, a + 2], ss0, isem0)
            pltpu.sync_copy(rows0, acc.at[didx.at[a]], add=True)
            wait_i0()
            pltpu.async_copy(p_hbm.at[ss0], rows0, gsem0)
            wait_g1()

            @pl.when(b + 2 <= CPT - 1)
            def _():
                pltpu.async_copy(src_hbm.at[wid, b + 2], ss1, isem1)

            pltpu.sync_copy(rows1, acc.at[didx.at[b]], add=True)
            return 0

        lax.fori_loop(0, (CPT - 1) // 2, e_body, 0)
        wait_g0()
        pltpu.sync_copy(rows0, acc.at[didx.at[CPT - 1]], add=True)

        plsc.subcore_barrier()
        pltpu.sync_copy(
            acc.at[pl.ds(s * RPT, RPT)], out_hbm.at[c, pl.ds(s * RPT, RPT)]
        )

    return pl.kernel(
        body,
        out_type=jax.ShapeDtypeStruct((NC, NPAD, D), jnp.float32),
        mesh=_mesh,
        compiler_params=_sc_params,
        scratch_types=[
            pltpu.VMEM_SHARED((NPAD, D), jnp.float32),
            pltpu.VMEM((CPT, CH), jnp.int32),
            pltpu.VMEM((CH,), jnp.int32),
            pltpu.VMEM((CH,), jnp.int32),
            pltpu.VMEM((CH, D), jnp.float32),
            pltpu.VMEM((CH, D), jnp.float32),
            pltpu.SemaphoreType.DMA,
            pltpu.SemaphoreType.DMA,
            pltpu.SemaphoreType.DMA,
            pltpu.SemaphoreType.DMA,
        ],
    )


_sc_agg_hid = _make_sc_agg(D_HID)
_sc_agg_lat = _make_sc_agg(D_HID)


def _tc1_body(hist_ref, x_ref, w1_ref, dis_ref, p1_ref):
    hist = jnp.squeeze(hist_ref[...], axis=1)
    ones = jnp.ones((TILES, 1), jnp.float32)
    deg = (
        lax.dot_general(
            hist, ones, (((0,), (0,)), ((), ())),
            preferred_element_type=jnp.float32,
        )
        + 1.0
    )
    dis = lax.rsqrt(deg)
    h1 = jnp.dot(x_ref[...], w1_ref[...], preferred_element_type=jnp.float32)
    dis_ref[...] = dis
    p1_ref[...] = h1 * dis


_tc1 = pl.pallas_call(
    _tc1_body,
    out_shape=(
        jax.ShapeDtypeStruct((N, 1), jnp.float32),
        jax.ShapeDtypeStruct((N, D_HID), jnp.float32),
    ),
)


def _tc2_body(part_ref, p1_ref, dis_ref, b1_ref, w2_ref, p2_ref):
    agg = part_ref[0, :N] + part_ref[1, :N] + p1_ref[...]
    u = agg * dis_ref[...] + b1_ref[...]
    r = jnp.maximum(u, 0.0)
    h2 = jnp.dot(r, w2_ref[...], preferred_element_type=jnp.float32)
    p2 = h2 * dis_ref[...]
    p2_ref[...] = jnp.concatenate(
        [p2, jnp.zeros((N, D_HID - D_LAT), jnp.float32)], axis=1
    )


_tc2 = pl.pallas_call(
    _tc2_body,
    out_shape=jax.ShapeDtypeStruct((N, D_HID), jnp.float32),
)


def _tc3_body(q_ref, p2_ref, dis_ref, b2_ref, out_ref):
    agg = q_ref[0, :N, :D_LAT] + q_ref[1, :N, :D_LAT] + p2_ref[:, :D_LAT]
    out_ref[...] = agg * dis_ref[...] + b2_ref[...]


_tc3 = pl.pallas_call(
    _tc3_body,
    out_shape=jax.ShapeDtypeStruct((N, D_LAT), jnp.float32),
)


def kernel(x, edge_index, W1, b1, W2, b2):
    src3 = edge_index[0].reshape(TILES, CPT, CH)
    dst3 = edge_index[1].reshape(TILES, CPT, CH)
    hist = _sc_hist(dst3)
    dis, p1 = _tc1(hist, x, W1)
    part1 = _sc_agg_hid(p1, src3, dst3)
    p2 = _tc2(part1, p1, dis, b1, W2)
    part2 = _sc_agg_lat(p2, src3, dst3)
    return _tc3(part2, p2, dis, b2)

# --- scband reference (transcript-rebuilt; emitter-appended) ---
"""Pipeline reference for scband-vganet-28656021799465 (READ-ONLY COPY).

The authoritative reference and input builder live on the scoring server;
editing this copy changes nothing except your own understanding.
"""

import jax, jax.numpy as jnp
import numpy as np

N = 10000
E = 320000
D_IN = 128
D_HID = 128
D_LAT = 64


def setup_inputs(seed: int = 0) -> dict:
    key = jax.random.key(seed)
    k1, k2, k3, k4 = jax.random.split(key, 4)
    x = jax.random.normal(k1, (N, D_IN), dtype=jnp.float32)
    edge_index = jax.random.randint(k2, (2, E), 0, N, dtype=jnp.int32)
    W1 = jax.random.normal(k3, (D_IN, D_HID), dtype=jnp.float32) * (1.0 / np.sqrt(D_IN))
    b1 = jnp.zeros((D_HID,), dtype=jnp.float32)
    W2 = jax.random.normal(k4, (D_HID, D_LAT), dtype=jnp.float32) * (1.0 / np.sqrt(D_HID))
    b2 = jnp.zeros((D_LAT,), dtype=jnp.float32)
    return {"x": x, "edge_index": edge_index, "W1": W1, "b1": b1, "W2": W2, "b2": b2}


def _gcn_conv(x, src, dst, norm, W, b, n_nodes):
    # GCNConv: linear transform, then normalized sum aggregation, then bias
    h = x @ W
    msg = jnp.take(h, src, axis=0) * norm[:, None]
    out = jax.ops.segment_sum(msg, dst, num_segments=n_nodes)
    return out + b


def reference(x, edge_index, W1, b1, W2, b2):
    n_nodes = x.shape[0]
    loop = jnp.arange(n_nodes, dtype=edge_index.dtype)
    src = jnp.concatenate([edge_index[0], loop])
    dst = jnp.concatenate([edge_index[1], loop])
    # symmetric GCN normalization over A + I
    deg = jax.ops.segment_sum(jnp.ones_like(dst, dtype=jnp.float32), dst, num_segments=n_nodes)
    deg_inv_sqrt = jnp.where(deg > 0, 1.0 / jnp.sqrt(deg), 0.0)
    norm = jnp.take(deg_inv_sqrt, src) * jnp.take(deg_inv_sqrt, dst)
    h = _gcn_conv(x, src, dst, norm, W1, b1, n_nodes)
    h = jax.nn.relu(h)
    # dropout is identity in eval mode
    out = _gcn_conv(h, src, dst, norm, W2, b2, n_nodes)
    return out

if __name__ == "__main__":
    import jax
    _d = setup_inputs()
    print(jax.jit(kernel)(*tuple(_d.values())))

</pallas_src>

<mosaic_0001>
#map = affine_map<(d0, d1) -> (0, 0, 0)>
module attributes {stable_mosaic.version = 14 : i64} {
  func.func @_hist_body(%arg0: i32, %arg1: i32, %arg2: memref<32x125x80xi32, #tpu.memory_space<hbm>>, %arg3: memref<32x1x10000xf32, #tpu.memory_space<hbm>>, %arg4: memref<125x80xi32, #tpu.memory_space<vmem>>, %arg5: memref<10000xf32, #tpu.memory_space<vmem>>) attributes {dimension_semantics = [#tpu.dimension_semantics<core_parallel>, #tpu.dimension_semantics<subcore_parallel>], iteration_bounds = array<i64: 2, 16>, scalar_prefetch = 0 : i64, scratch_operands = 2 : i64, tpu.core_type = #tpu.core_type<sc_vector_subcore>, window_params = [{transform_indices = #map}, {transform_indices = #map}]} {
    %mul3A = arith.constant 16 : i32
    %mul3A_0 = arith.muli %arg0, %mul3A : i32
    %add3A = arith.addi %mul3A_0, %arg1 : i32
    "tpu.region"() ({
      %run_scoped3A_17 = tpu.sem_alloc : memref<!tpu.dma_semaphore, #tpu.memory_space<semaphore_mem>>
      %dma_start3A = arith.constant 0 : i32
      %dma_start3A_18 = arith.constant 0 : i32
      %dma_start3A_19 = tpu.memref_slice %arg2[%add3A, %dma_start3A, %dma_start3A_18] : memref<32x125x80xi32, #tpu.memory_space<hbm>> -> memref<1x125x80xi32, #tpu.memory_space<hbm>>
      %dma_start3A_20 = tpu.memref_squeeze %dma_start3A_19 : memref<1x125x80xi32, #tpu.memory_space<hbm>> -> memref<125x80xi32, #tpu.memory_space<hbm>>
      %dma_start3A_21 = arith.constant 0 : i32
      %dma_start3A_22 = arith.constant 0 : i32
      %dma_start3A_23 = tpu.memref_slice %arg2[%add3A, %dma_start3A_21, %dma_start3A_22] : memref<32x125x80xi32, #tpu.memory_space<hbm>> -> memref<1x125x80xi32, #tpu.memory_space<hbm>>
      %dma_start3A_24 = tpu.memref_squeeze %dma_start3A_23 : memref<1x125x80xi32, #tpu.memory_space<hbm>> -> memref<125x80xi32, #tpu.memory_space<hbm>>
      tpu.enqueue_dma source(%dma_start3A_24 : memref<125x80xi32, #tpu.memory_space<hbm>>) target(%arg4 : memref<125x80xi32, #tpu.memory_space<vmem>>) target_semaphore(%run_scoped3A_17 : memref<!tpu.dma_semaphore, #tpu.memory_space<semaphore_mem>>)
      %dma_wait3A = arith.constant 0 : i32
      %dma_wait3A_25 = arith.constant 0 : i32
      %dma_wait3A_26 = tpu.memref_slice %arg2[%add3A, %dma_wait3A, %dma_wait3A_25] : memref<32x125x80xi32, #tpu.memory_space<hbm>> -> memref<1x125x80xi32, #tpu.memory_space<hbm>>
      %dma_wait3A_27 = tpu.memref_squeeze %dma_wait3A_26 : memref<1x125x80xi32, #tpu.memory_space<hbm>> -> memref<125x80xi32, #tpu.memory_space<hbm>>
      %dma_wait3A_28 = arith.constant 0 : i32
      %dma_wait3A_29 = arith.constant 0 : i32
      %dma_wait3A_30 = tpu.memref_slice %arg2[%add3A, %dma_wait3A_28, %dma_wait3A_29] : memref<32x125x80xi32, #tpu.memory_space<hbm>> -> memref<1x125x80xi32, #tpu.memory_space<hbm>>
      %dma_wait3A_31 = tpu.memref_squeeze %dma_wait3A_30 : memref<1x125x80xi32, #tpu.memory_space<hbm>> -> memref<125x80xi32, #tpu.memory_space<hbm>>
      tpu.wait_dma2 semaphore(%run_scoped3A_17 : memref<!tpu.dma_semaphore, #tpu.memory_space<semaphore_mem>>) src(%dma_wait3A_31 : memref<125x80xi32, #tpu.memory_space<hbm>>) dst(%arg4 : memref<125x80xi32, #tpu.memory_space<vmem>>)
      tpu.yield
    }) : () -> ()
    %broadcast_in_dim3A = arith.constant 0.000000e+00 : f32
    %broadcast_in_dim3A_1 = vector.broadcast %broadcast_in_dim3A : f32 to vector<16xf32>
    %broadcast_in_dim3A_2 = arith.constant 1.000000e+00 : f32
    %broadcast_in_dim3A_3 = vector.broadcast %broadcast_in_dim3A_2 : f32 to vector<16xf32>
    %scan3A = arith.constant 0 : i32
    %scan3A_4 = arith.constant 0 : i32
    %scan3A_5 = arith.constant 625 : i32
    %scan3A_6 = arith.addi %scan3A_4, %scan3A_5 : i32
    %scan3A_7 = arith.constant 1 : i32
    %scan3A_8 = scf.for %scan3A_17 = %scan3A_4 to %scan3A_6 step %scan3A_7 iter_args(%scan3A_18 = %scan3A) -> (i32)  : i32 {
      %mul3A_19 = arith.constant 16 : i32
      %mul3A_20 = arith.muli %scan3A_17, %mul3A_19 : i32
      %swap3A = arith.index_cast %mul3A_20 : i32 to index
      %swap3A_21 = tpu.vector_load %arg5[%swap3A] {strides = array<i32>} : memref<10000xf32, #tpu.memory_space<vmem>>, vector<16xf32>,
      tpu.vector_store %arg5[%swap3A], %broadcast_in_dim3A_1 {strides = array<i32>} : memref<10000xf32, #tpu.memory_space<vmem>>, vector<16xf32>,
      %scan3A_22 = arith.constant 0 : i32
      scf.yield %scan3A_22 : i32
    }
    %scan3A_9 = arith.constant 625 : i32
    %scan3A_10 = arith.constant 0 : i32
    %scan3A_11 = arith.constant 0 : i32
    %scan3A_12 = arith.constant 125 : i32
    %scan3A_13 = arith.addi %scan3A_11, %scan3A_12 : i32
    %scan3A_14 = arith.constant 1 : i32
    %scan3A_15 = scf.for %scan3A_17 = %scan3A_11 to %scan3A_13 step %scan3A_14 iter_args(%scan3A_18 = %scan3A_10) -> (i32)  : i32 {
      %scan3A_19 = arith.constant 0 : i32
      %scan3A_20 = arith.constant 0 : i32
      %scan3A_21 = arith.constant 5 : i32
      %scan3A_22 = arith.addi %scan3A_20, %scan3A_21 : i32
      %scan3A_23 = arith.constant 1 : i32
      %scan3A_24 = scf.for %scan3A_27 = %scan3A_20 to %scan3A_22 step %scan3A_23 iter_args(%scan3A_28 = %scan3A_19) -> (i32)  : i32 {
        %mul3A_29 = arith.constant 16 : i32
        %mul3A_30 = arith.muli %scan3A_27, %mul3A_29 : i32
        %get3A = arith.index_cast %scan3A_17 : i32 to index
        %get3A_31 = arith.index_cast %mul3A_30 : i32 to index
        %get3A_32 = tpu.vector_load %arg4[%get3A, %get3A_31] {strides = array<i32>} : memref<125x80xi32, #tpu.memory_space<vmem>>, vector<16xi32>,
        tpu.vector_store_idx %arg5[%get3A_32], %broadcast_in_dim3A_3 {add = true} : memref<10000xf32, #tpu.memory_space<vmem>>[vector<16xi32>], vector<16xf32>,
        %scan3A_33 = arith.constant 0 : i32
        scf.yield %scan3A_33 : i32
      }
      %scan3A_25 = arith.constant 5 : i32
      %scan3A_26 = arith.constant 0 : i32
      scf.yield %scan3A_26 : i32
    }
    %scan3A_16 = arith.constant 125 : i32
    %run_scoped3A = arith.constant 0 : i32
    "tpu.region"() ({
      %run_scoped3A_17 = tpu.sem_alloc : memref<!tpu.dma_semaphore, #tpu.memory_space<semaphore_mem>>
      %dma_start3A = arith.constant 0 : i32
      %dma_start3A_18 = tpu.memref_slice %arg3[%add3A, %run_scoped3A, %dma_start3A] : memref<32x1x10000xf32, #tpu.memory_space<hbm>> -> memref<1x1x10000xf32, #tpu.memory_space<hbm>>
      %dma_start3A_19 = tpu.memref_squeeze %dma_start3A_18 : memref<1x1x10000xf32, #tpu.memory_space<hbm>> -> memref<10000xf32, #tpu.memory_space<hbm>>
      %dma_start3A_20 = arith.constant 0 : i32
      %dma_start3A_21 = tpu.memref_slice %arg3[%add3A, %run_scoped3A, %dma_start3A_20] : memref<32x1x10000xf32, #tpu.memory_space<hbm>> -> memref<1x1x10000xf32, #tpu.memory_space<hbm>>
      %dma_start3A_22 = tpu.memref_squeeze %dma_start3A_21 : memref<1x1x10000xf32, #tpu.memory_space<hbm>> -> memref<10000xf32, #tpu.memory_space<hbm>>
      tpu.enqueue_dma source(%arg5 : memref<10000xf32, #tpu.memory_space<vmem>>) target(%dma_start3A_22 : memref<10000xf32, #tpu.memory_space<hbm>>) target_semaphore(%run_scoped3A_17 : memref<!tpu.dma_semaphore, #tpu.memory_space<semaphore_mem>>)
      %dma_wait3A = arith.constant 0 : i32
      %dma_wait3A_23 = tpu.memref_slice %arg3[%add3A, %run_scoped3A, %dma_wait3A] : memref<32x1x10000xf32, #tpu.memory_space<hbm>> -> memref<1x1x10000xf32, #tpu.memory_space<hbm>>
      %dma_wait3A_24 = tpu.memref_squeeze %dma_wait3A_23 : memref<1x1x10000xf32, #tpu.memory_space<hbm>> -> memref<10000xf32, #tpu.memory_space<hbm>>
      %dma_wait3A_25 = arith.constant 0 : i32
      %dma_wait3A_26 = tpu.memref_slice %arg3[%add3A, %run_scoped3A, %dma_wait3A_25] : memref<32x1x10000xf32, #tpu.memory_space<hbm>> -> memref<1x1x10000xf32, #tpu.memory_space<hbm>>
      %dma_wait3A_27 = tpu.memref_squeeze %dma_wait3A_26 : memref<1x1x10000xf32, #tpu.memory_space<hbm>> -> memref<10000xf32, #tpu.memory_space<hbm>>
      tpu.wait_dma2 semaphore(%run_scoped3A_17 : memref<!tpu.dma_semaphore, #tpu.memory_space<semaphore_mem>>) src(%arg5 : memref<10000xf32, #tpu.memory_space<vmem>>) dst(%dma_wait3A_27 : memref<10000xf32, #tpu.memory_space<hbm>>)
      tpu.yield
    }) : () -> ()
    return
  }
}

#map = affine_map<(d0, d1) -> (0, 0)>
#map1 = affine_map<(d0, d1) -> (0, 0, 0)>
module attributes {stable_mosaic.version = 14 : i64} {
  func.func @body(%arg0: i32, %arg1: i32, %arg2: memref<10000x128xf32, #tpu.memory_space<hbm>>, %arg3: memref<32x125x80xi32, #tpu.memory_space<hbm>>, %arg4: memref<32x125x80xi32, #tpu.memory_space<hbm>>, %arg5: memref<2x10240x128xf32, #tpu.memory_space<hbm>>, %arg6: memref<10240x128xf32, #tpu.memory_space<vmem_shared>>, %arg7: memref<125x80xi32, #tpu.memory_space<vmem>>, %arg8: memref<80xi32, #tpu.memory_space<vmem>>, %arg9: memref<80xi32, #tpu.memory_space<vmem>>, %arg10: memref<80x128xf32, #tpu.memory_space<vmem>>, %arg11: memref<80x128xf32, #tpu.memory_space<vmem>>, %arg12: memref<!tpu.dma_semaphore, #tpu.memory_space<semaphore_mem>>, %arg13: memref<!tpu.dma_semaphore, #tpu.memory_space<semaphore_mem>>, %arg14: memref<!tpu.dma_semaphore, #tpu.memory_space<semaphore_mem>>, %arg15: memref<!tpu.dma_semaphore, #tpu.memory_space<semaphore_mem>>) attributes {dimension_semantics = [#tpu.dimension_semantics<core_parallel>, #tpu.dimension_semantics<subcore_parallel>], iteration_bounds = array<i64: 2, 16>, scalar_prefetch = 0 : i64, scratch_operands = 10 : i64, tpu.core_type = #tpu.core_type<sc_vector_subcore>, window_params = [{transform_indices = #map}, {transform_indices = #map1}, {transform_indices = #map1}, {transform_indices = #map1}]} {
    %mul3A = arith.constant 16 : i32
    %mul3A_0 = arith.muli %arg0, %mul3A : i32
    %add3A = arith.addi %mul3A_0, %arg1 : i32
    %dma_start3A = arith.constant 0 : i32
    %dma_start3A_1 = arith.constant 0 : i32
    %dma_start3A_2 = tpu.memref_slice %arg3[%add3A, %dma_start3A, %dma_start3A_1] : memref<32x125x80xi32, #tpu.memory_space<hbm>> -> memref<1x1x80xi32, #tpu.memory_space<hbm>>
    %dma_start3A_3 = tpu.memref_squeeze %dma_start3A_2 : memref<1x1x80xi32, #tpu.memory_space<hbm>> -> memref<80xi32, #tpu.memory_space<hbm>>
    %dma_start3A_4 = arith.constant 0 : i32
    %dma_start3A_5 = tpu.memref_slice %arg3[%add3A, %dma_start3A, %dma_start3A_4] : memref<32x125x80xi32, #tpu.memory_space<hbm>> -> memref<1x1x80xi32, #tpu.memory_space<hbm>>
    %dma_start3A_6 = tpu.memref_squeeze %dma_start3A_5 : memref<1x1x80xi32, #tpu.memory_space<hbm>> -> memref<80xi32, #tpu.memory_space<hbm>>
    tpu.enqueue_dma source(%dma_start3A_6 : memref<80xi32, #tpu.memory_space<hbm>>) target(%arg8 : memref<80xi32, #tpu.memory_space<vmem>>) target_semaphore(%arg12 : memref<!tpu.dma_semaphore, #tpu.memory_space<semaphore_mem>>)
    %dma_start3A_7 = arith.constant 1 : i32
    %dma_start3A_8 = arith.constant 0 : i32
    %dma_start3A_9 = tpu.memref_slice %arg3[%add3A, %dma_start3A_7, %dma_start3A_8] : memref<32x125x80xi32, #tpu.memory_space<hbm>> -> memref<1x1x80xi32, #tpu.memory_space<hbm>>
    %dma_start3A_10 = tpu.memref_squeeze %dma_start3A_9 : memref<1x1x80xi32, #tpu.memory_space<hbm>> -> memref<80xi32, #tpu.memory_space<hbm>>
    %dma_start3A_11 = arith.constant 0 : i32
    %dma_start3A_12 = tpu.memref_slice %arg3[%add3A, %dma_start3A_7, %dma_start3A_11] : memref<32x125x80xi32, #tpu.memory_space<hbm>> -> memref<1x1x80xi32, #tpu.memory_space<hbm>>
    %dma_start3A_13 = tpu.memref_squeeze %dma_start3A_12 : memref<1x1x80xi32, #tpu.memory_space<hbm>> -> memref<80xi32, #tpu.memory_space<hbm>>
    tpu.enqueue_dma source(%dma_start3A_13 : memref<80xi32, #tpu.memory_space<hbm>>) target(%arg9 : memref<80xi32, #tpu.memory_space<vmem>>) target_semaphore(%arg13 : memref<!tpu.dma_semaphore, #tpu.memory_space<semaphore_mem>>)
    "tpu.region"() ({
      %run_scoped3A_52 = tpu.sem_alloc : memref<!tpu.dma_semaphore, #tpu.memory_space<semaphore_mem>>
      %dma_start3A_53 = arith.constant 0 : i32
      %dma_start3A_54 = arith.constant 0 : i32
      %dma_start3A_55 = tpu.memref_slice %arg4[%add3A, %dma_start3A_53, %dma_start3A_54] : memref<32x125x80xi32, #tpu.memory_space<hbm>> -> memref<1x125x80xi32, #tpu.memory_space<hbm>>
      %dma_start3A_56 = tpu.memref_squeeze %dma_start3A_55 : memref<1x125x80xi32, #tpu.memory_space<hbm>> -> memref<125x80xi32, #tpu.memory_space<hbm>>
      %dma_start3A_57 = arith.constant 0 : i32
      %dma_start3A_58 = arith.constant 0 : i32
      %dma_start3A_59 = tpu.memref_slice %arg4[%add3A, %dma_start3A_57, %dma_start3A_58] : memref<32x125x80xi32, #tpu.memory_space<hbm>> -> memref<1x125x80xi32, #tpu.memory_space<hbm>>
      %dma_start3A_60 = tpu.memref_squeeze %dma_start3A_59 : memref<1x125x80xi32, #tpu.memory_space<hbm>> -> memref<125x80xi32, #tpu.memory_space<hbm>>
      tpu.enqueue_dma source(%dma_start3A_60 : memref<125x80xi32, #tpu.memory_space<hbm>>) target(%arg7 : memref<125x80xi32, #tpu.memory_space<vmem>>) target_semaphore(%run_scoped3A_52 : memref<!tpu.dma_semaphore, #tpu.memory_space<semaphore_mem>>)
      %dma_wait3A_61 = arith.constant 0 : i32
      %dma_wait3A_62 = arith.constant 0 : i32
      %dma_wait3A_63 = tpu.memref_slice %arg4[%add3A, %dma_wait3A_61, %dma_wait3A_62] : memref<32x125x80xi32, #tpu.memory_space<hbm>> -> memref<1x125x80xi32, #tpu.memory_space<hbm>>
      %dma_wait3A_64 = tpu.memref_squeeze %dma_wait3A_63 : memref<1x125x80xi32, #tpu.memory_space<hbm>> -> memref<125x80xi32, #tpu.memory_space<hbm>>
      %dma_wait3A_65 = arith.constant 0 : i32
      %dma_wait3A_66 = arith.constant 0 : i32
      %dma_wait3A_67 = tpu.memref_slice %arg4[%add3A, %dma_wait3A_65, %dma_wait3A_66] : memref<32x125x80xi32, #tpu.memory_space<hbm>> -> memref<1x125x80xi32, #tpu.memory_space<hbm>>
      %dma_wait3A_68 = tpu.memref_squeeze %dma_wait3A_67 : memref<1x125x80xi32, #tpu.memory_space<hbm>> -> memref<125x80xi32, #tpu.memory_space<hbm>>
      tpu.wait_dma2 semaphore(%run_scoped3A_52 : memref<!tpu.dma_semaphore, #tpu.memory_space<semaphore_mem>>) src(%dma_wait3A_68 : memref<125x80xi32, #tpu.memory_space<hbm>>) dst(%arg7 : memref<125x80xi32, #tpu.memory_space<vmem>>)
      tpu.yield
    }) : () -> ()
    %broadcast_in_dim3A = arith.constant 0.000000e+00 : f32
    %broadcast_in_dim3A_14 = vector.broadcast %broadcast_in_dim3A : f32 to vector<16xf32>
    %scan3A = arith.constant 0 : i32
    %scan3A_15 = arith.constant 0 : i32
    %scan3A_16 = arith.constant 80 : i32
    %scan3A_17 = arith.addi %scan3A_15, %scan3A_16 : i32
    %scan3A_18 = arith.constant 1 : i32
    %scan3A_19 = scf.for %scan3A_52 = %scan3A_15 to %scan3A_17 step %scan3A_18 iter_args(%scan3A_53 = %scan3A) -> (i32)  : i32 {
      %scan3A_54 = arith.constant 0 : i32
      %scan3A_55 = arith.constant 0 : i32
      %scan3A_56 = arith.constant 8 : i32
      %scan3A_57 = arith.addi %scan3A_55, %scan3A_56 : i32
      %scan3A_58 = arith.constant 1 : i32
      %scan3A_59 = scf.for %scan3A_62 = %scan3A_55 to %scan3A_57 step %scan3A_58 iter_args(%scan3A_63 = %scan3A_54) -> (i32)  : i32 {
        %mul3A_64 = arith.constant 16 : i32
        %mul3A_65 = arith.muli %scan3A_62, %mul3A_64 : i32
        %swap3A = arith.index_cast %scan3A_52 : i32 to index
        %swap3A_66 = arith.index_cast %mul3A_65 : i32 to index
        %swap3A_67 = tpu.vector_load %arg10[%swap3A, %swap3A_66] {strides = array<i32>} : memref<80x128xf32, #tpu.memory_space<vmem>>, vector<16xf32>,
        tpu.vector_store %arg10[%swap3A, %swap3A_66], %broadcast_in_dim3A_14 {strides = array<i32>} : memref<80x128xf32, #tpu.memory_space<vmem>>, vector<16xf32>,
        %scan3A_68 = arith.constant 0 : i32
        scf.yield %scan3A_68 : i32
      }
      %scan3A_60 = arith.constant 8 : i32
      %scan3A_61 = arith.constant 0 : i32
      scf.yield %scan3A_61 : i32
    }
    %scan3A_20 = arith.constant 80 : i32
    %scan3A_21 = arith.constant 0 : i32
    %scan3A_22 = arith.constant 0 : i32
    %scan3A_23 = arith.constant 8 : i32
    %scan3A_24 = arith.addi %scan3A_22, %scan3A_23 : i32
    %scan3A_25 = arith.constant 1 : i32
    %scan3A_26 = scf.for %scan3A_52 = %scan3A_22 to %scan3A_24 step %scan3A_25 iter_args(%scan3A_53 = %scan3A_21) -> (i32)  : i32 {
      %mul3A_54 = arith.constant 640 : i32
      %mul3A_55 = arith.muli %arg1, %mul3A_54 : i32
      %mul3A_56 = arith.constant 80 : i32
      %mul3A_57 = arith.muli %scan3A_52, %mul3A_56 : i32
      %add3A_58 = arith.addi %mul3A_55, %mul3A_57 : i32
      "tpu.region"() ({
        %run_scoped3A_60 = tpu.sem_alloc : memref<!tpu.dma_semaphore, #tpu.memory_space<semaphore_mem>>
        %dma_start3A_61 = arith.constant 0 : i32
        %dma_start3A_62 = tpu.memref_slice %arg6[%add3A_58, %dma_start3A_61] : memref<10240x128xf32, #tpu.memory_space<vmem_shared>> -> memref<80x128xf32, #tpu.memory_space<vmem_shared>>
        %dma_start3A_63 = arith.constant 0 : i32
        %dma_start3A_64 = tpu.memref_slice %arg6[%add3A_58, %dma_start3A_63] : memref<10240x128xf32, #tpu.memory_space<vmem_shared>> -> memref<80x128xf32, #tpu.memory_space<vmem_shared>>
        tpu.enqueue_dma source(%arg10 : memref<80x128xf32, #tpu.memory_space<vmem>>) target(%dma_start3A_64 : memref<80x128xf32, #tpu.memory_space<vmem_shared>>) target_semaphore(%run_scoped3A_60 : memref<!tpu.dma_semaphore, #tpu.memory_space<semaphore_mem>>)
        %dma_wait3A_65 = arith.constant 0 : i32
        %dma_wait3A_66 = tpu.memref_slice %arg6[%add3A_58, %dma_wait3A_65] : memref<10240x128xf32, #tpu.memory_space<vmem_shared>> -> memref<80x128xf32, #tpu.memory_space<vmem_shared>>
        %dma_wait3A_67 = arith.constant 0 : i32
        %dma_wait3A_68 = tpu.memref_slice %arg6[%add3A_58, %dma_wait3A_67] : memref<10240x128xf32, #tpu.memory_space<vmem_shared>> -> memref<80x128xf32, #tpu.memory_space<vmem_shared>>
        tpu.wait_dma2 semaphore(%run_scoped3A_60 : memref<!tpu.dma_semaphore, #tpu.memory_space<semaphore_mem>>) src(%arg10 : memref<80x128xf32, #tpu.memory_space<vmem>>) dst(%dma_wait3A_68 : memref<80x128xf32, #tpu.memory_space<vmem_shared>>)
        tpu.yield
      }) : () -> ()
      %scan3A_59 = arith.constant 0 : i32
      scf.yield %scan3A_59 : i32
    }
    %scan3A_27 = arith.constant 8 : i32
    %barrier3A = arith.constant 0 : index
    tpu.barrier barrier_id(%barrier3A)
    %dma_wait3A = arith.constant 0 : i32
    %dma_wait3A_28 = arith.constant 0 : i32
    %dma_wait3A_29 = tpu.memref_slice %arg3[%add3A, %dma_wait3A, %dma_wait3A_28] : memref<32x125x80xi32, #tpu.memory_space<hbm>> -> memref<1x1x80xi32, #tpu.memory_space<hbm>>
    %dma_wait3A_30 = tpu.memref_squeeze %dma_wait3A_29 : memref<1x1x80xi32, #tpu.memory_space<hbm>> -> memref<80xi32, #tpu.memory_space<hbm>>
    %dma_wait3A_31 = arith.constant 0 : i32
    %dma_wait3A_32 = tpu.memref_slice %arg3[%add3A, %dma_wait3A, %dma_wait3A_31] : memref<32x125x80xi32, #tpu.memory_space<hbm>> -> memref<1x1x80xi32, #tpu.memory_space<hbm>>
    %dma_wait3A_33 = tpu.memref_squeeze %dma_wait3A_32 : memref<1x1x80xi32, #tpu.memory_space<hbm>> -> memref<80xi32, #tpu.memory_space<hbm>>
    tpu.wait_dma2 semaphore(%arg12 : memref<!tpu.dma_semaphore, #tpu.memory_space<semaphore_mem>>) src(%dma_wait3A_33 : memref<80xi32, #tpu.memory_space<hbm>>) dst(%arg8 : memref<80xi32, #tpu.memory_space<vmem>>)
    %dma_start3A_34 = arith.constant 0 : i32
    %dma_start3A_35 = arith.constant 0 : i32
    %dma_start3A_36 = tpu.memref_slice %arg2[%dma_start3A_34, %dma_start3A_35] : memref<10000x128xf32, #tpu.memory_space<hbm>> -> memref<10000x128xf32, #tpu.memory_space<hbm>>
    tpu.enqueue_indirect_dma source(%dma_start3A_36 : memref<10000x128xf32, #tpu.memory_space<hbm>>) target(%arg10 : memref<80x128xf32, #tpu.memory_space<vmem>>) offsets(%arg8 : memref<80xi32, #tpu.memory_space<vmem>>) semaphore(%arg14 : memref<!tpu.dma_semaphore, #tpu.memory_space<semaphore_mem>>)
    %scan3A_37 = arith.constant 0 : i32
    %scan3A_38 = arith.constant 0 : i32
    %scan3A_39 = arith.constant 62 : i32
    %scan3A_40 = arith.addi %scan3A_38, %scan3A_39 : i32
    %scan3A_41 = arith.constant 1 : i32
    %scan3A_42 = scf.for %scan3A_52 = %scan3A_38 to %scan3A_40 step %scan3A_41 iter_args(%scan3A_53 = %scan3A_37) -> (i32)  : i32 {
      %mul3A_54 = arith.constant 2 : i32
      %mul3A_55 = arith.muli %mul3A_54, %scan3A_52 : i32
      %add3A_56 = arith.constant 1 : i32
      %add3A_57 = arith.addi %mul3A_55, %add3A_56 : i32
      %dma_wait3A_58 = arith.constant 1 : i32
      %dma_wait3A_59 = arith.constant 0 : i32
      %dma_wait3A_60 = tpu.memref_slice %arg3[%add3A, %dma_wait3A_58, %dma_wait3A_59] : memref<32x125x80xi32, #tpu.memory_space<hbm>> -> memref<1x1x80xi32, #tpu.memory_space<hbm>>
      %dma_wait3A_61 = tpu.memref_squeeze %dma_wait3A_60 : memref<1x1x80xi32, #tpu.memory_space<hbm>> -> memref<80xi32, #tpu.memory_space<hbm>>
      %dma_wait3A_62 = arith.constant 0 : i32
      %dma_wait3A_63 = tpu.memref_slice %arg3[%add3A, %dma_wait3A_58, %dma_wait3A_62] : memref<32x125x80xi32, #tpu.memory_space<hbm>> -> memref<1x1x80xi32, #tpu.memory_space<hbm>>
      %dma_wait3A_64 = tpu.memref_squeeze %dma_wait3A_63 : memref<1x1x80xi32, #tpu.memory_space<hbm>> -> memref<80xi32, #tpu.memory_space<hbm>>
      tpu.wait_dma2 semaphore(%arg13 : memref<!tpu.dma_semaphore, #tpu.memory_space<semaphore_mem>>) src(%dma_wait3A_64 : memref<80xi32, #tpu.memory_space<hbm>>) dst(%arg9 : memref<80xi32, #tpu.memory_space<vmem>>)
      %dma_start3A_65 = arith.constant 0 : i32
      %dma_start3A_66 = arith.constant 0 : i32
      %dma_start3A_67 = tpu.memref_slice %arg2[%dma_start3A_65, %dma_start3A_66] : memref<10000x128xf32, #tpu.memory_space<hbm>> -> memref<10000x128xf32, #tpu.memory_space<hbm>>
      tpu.enqueue_indirect_dma source(%dma_start3A_67 : memref<10000x128xf32, #tpu.memory_space<hbm>>) target(%arg11 : memref<80x128xf32, #tpu.memory_space<vmem>>) offsets(%arg9 : memref<80xi32, #tpu.memory_space<vmem>>) semaphore(%arg15 : memref<!tpu.dma_semaphore, #tpu.memory_space<semaphore_mem>>)
      %dma_wait3A_68 = arith.constant 0 : i32
      %dma_wait3A_69 = arith.constant 0 : i32
      %dma_wait3A_70 = tpu.memref_slice %arg2[%dma_wait3A_68, %dma_wait3A_69] : memref<10000x128xf32, #tpu.memory_space<hbm>> -> memref<10000x128xf32, #tpu.memory_space<hbm>>
      tpu.wait_indirect_dma semaphore(%arg14 : memref<!tpu.dma_semaphore, #tpu.memory_space<semaphore_mem>>) src(%dma_wait3A_70 : memref<10000x128xf32, #tpu.memory_space<hbm>>) dst(%arg10 : memref<80x128xf32, #tpu.memory_space<vmem>>)
      %add3A_71 = arith.constant 2 : i32
      %add3A_72 = arith.addi %mul3A_55, %add3A_71 : i32
      %dma_start3A_73 = arith.constant 0 : i32
      %dma_start3A_74 = tpu.memref_slice %arg3[%add3A, %add3A_72, %dma_start3A_73] : memref<32x125x80xi32, #tpu.memory_space<hbm>> -> memref<1x1x80xi32, #tpu.memory_space<hbm>>
      %dma_start3A_75 = tpu.memref_squeeze %dma_start3A_74 : memref<1x1x80xi32, #tpu.memory_space<hbm>> -> memref<80xi32, #tpu.memory_space<hbm>>
      %dma_start3A_76 = arith.constant 0 : i32
      %dma_start3A_77 = tpu.memref_slice %arg3[%add3A, %add3A_72, %dma_start3A_76] : memref<32x125x80xi32, #tpu.memory_space<hbm>> -> memref<1x1x80xi32, #tpu.memory_space<hbm>>
      %dma_start3A_78 = tpu.memref_squeeze %dma_start3A_77 : memref<1x1x80xi32, #tpu.memory_space<hbm>> -> memref<80xi32, #tpu.memory_space<hbm>>
      tpu.enqueue_dma source(%dma_start3A_78 : memref<80xi32, #tpu.memory_space<hbm>>) target(%arg8 : memref<80xi32, #tpu.memory_space<vmem>>) target_semaphore(%arg12 : memref<!tpu.dma_semaphore, #tpu.memory_space<semaphore_mem>>)
      "tpu.region"() ({
        %run_scoped3A_97 = tpu.sem_alloc : memref<!tpu.dma_semaphore, #tpu.memory_space<semaphore_mem>>
        %dma_start3A_98 = arith.constant 0 : i32
        %dma_start3A_99 = tpu.memref_slice %arg7[%mul3A_55, %dma_start3A_98] : memref<125x80xi32, #tpu.memory_space<vmem>> -> memref<1x80xi32, #tpu.memory_space<vmem>>
        %dma_start3A_100 = tpu.memref_squeeze %dma_start3A_99 : memref<1x80xi32, #tpu.memory_space<vmem>> -> memref<80xi32, #tpu.memory_space<vmem>>
        %dma_start3A_101 = arith.constant 0 : i32
        %dma_start3A_102 = arith.constant 0 : i32
        %dma_start3A_103 = tpu.memref_slice %arg6[%dma_start3A_101, %dma_start3A_102] : memref<10240x128xf32, #tpu.memory_space<vmem_shared>> -> memref<10240x128xf32, #tpu.memory_space<vmem_shared>>
        tpu.enqueue_indirect_dma source(%arg10 : memref<80x128xf32, #tpu.memory_space<vmem>>) target(%dma_start3A_103 : memref<10240x128xf32, #tpu.memory_space<vmem_shared>>) offsets(%dma_start3A_100 : memref<80xi32, #tpu.memory_space<vmem>>) semaphore(%run_scoped3A_97 : memref<!tpu.dma_semaphore, #tpu.memory_space<semaphore_mem>>) {add = true}
        %dma_wait3A_104 = arith.constant 0 : i32
        %dma_wait3A_105 = tpu.memref_slice %arg7[%mul3A_55, %dma_wait3A_104] : memref<125x80xi32, #tpu.memory_space<vmem>> -> memref<1x80xi32, #tpu.memory_space<vmem>>
        %dma_wait3A_106 = tpu.memref_squeeze %dma_wait3A_105 : memref<1x80xi32, #tpu.memory_space<vmem>> -> memref<80xi32, #tpu.memory_space<vmem>>
        %dma_wait3A_107 = arith.constant 0 : i32
        %dma_wait3A_108 = arith.constant 0 : i32
        %dma_wait3A_109 = tpu.memref_slice %arg6[%dma_wait3A_107, %dma_wait3A_108] : memref<10240x128xf32, #tpu.memory_space<vmem_shared>> -> memref<10240x128xf32, #tpu.memory_space<vmem_shared>>
        tpu.wait_indirect_dma semaphore(%run_scoped3A_97 : memref<!tpu.dma_semaphore, #tpu.memory_space<semaphore_mem>>) src(%arg10 : memref<80x128xf32, #tpu.memory_space<vmem>>) dst(%dma_wait3A_109 : memref<10240x128xf32, #tpu.memory_space<vmem_shared>>)
        tpu.yield
      }) : () -> ()
      %dma_wait3A_79 = arith.constant 0 : i32
      %dma_wait3A_80 = arith.constant 0 : i32
      %dma_wait3A_81 = tpu.memref_slice %arg3[%add3A, %dma_wait3A_79, %dma_wait3A_80] : memref<32x125x80xi32, #tpu.memory_space<hbm>> -> memref<1x1x80xi32, #tpu.memory_space<hbm>>
      %dma_wait3A_82 = tpu.memref_squeeze %dma_wait3A_81 : memref<1x1x80xi32, #tpu.memory_space<hbm>> -> memref<80xi32, #tpu.memory_space<hbm>>
      %dma_wait3A_83 = arith.constant 0 : i32
      %dma_wait3A_84 = tpu.memref_slice %arg3[%add3A, %dma_wait3A_79, %dma_wait3A_83] : memref<32x125x80xi32, #tpu.memory_space<hbm>> -> memref<1x1x80xi32, #tpu.memory_space<hbm>>
      %dma_wait3A_85 = tpu.memref_squeeze %dma_wait3A_84 : memref<1x1x80xi32, #tpu.memory_space<hbm>> -> memref<80xi32, #tpu.memory_space<hbm>>
      tpu.wait_dma2 semaphore(%arg12 : memref<!tpu.dma_semaphore, #tpu.memory_space<semaphore_mem>>) src(%dma_wait3A_85 : memref<80xi32, #tpu.memory_space<hbm>>) dst(%arg8 : memref<80xi32, #tpu.memory_space<vmem>>)
      %dma_start3A_86 = arith.constant 0 : i32
      %dma_start3A_87 = arith.constant 0 : i32
      %dma_start3A_88 = tpu.memref_slice %arg2[%dma_start3A_86, %dma_start3A_87] : memref<10000x128xf32, #tpu.memory_space<hbm>> -> memref<10000x128xf32, #tpu.memory_space<hbm>>
      tpu.enqueue_indirect_dma source(%dma_start3A_88 : memref<10000x128xf32, #tpu.memory_space<hbm>>) target(%arg10 : memref<80x128xf32, #tpu.memory_space<vmem>>) offsets(%arg8 : memref<80xi32, #tpu.memory_space<vmem>>) semaphore(%arg14 : memref<!tpu.dma_semaphore, #tpu.memory_space<semaphore_mem>>)
      %dma_wait3A_89 = arith.constant 0 : i32
      %dma_wait3A_90 = arith.constant 0 : i32
      %dma_wait3A_91 = tpu.memref_slice %arg2[%dma_wait3A_89, %dma_wait3A_90] : memref<10000x128xf32, #tpu.memory_space<hbm>> -> memref<10000x128xf32, #tpu.memory_space<hbm>>
      tpu.wait_indirect_dma semaphore(%arg15 : memref<!tpu.dma_semaphore, #tpu.memory_space<semaphore_mem>>) src(%dma_wait3A_91 : memref<10000x128xf32, #tpu.memory_space<hbm>>) dst(%arg11 : memref<80x128xf32, #tpu.memory_space<vmem>>)
      %add3A_92 = arith.constant 2 : i32
      %add3A_93 = arith.addi %add3A_57, %add3A_92 : i32
      %le3A = arith.constant 124 : i32
      %le3A_94 = arith.cmpi sle, %add3A_93, %le3A : i32
      %convert_element_type3A = arith.extui %le3A_94 : i1 to i32
      %cond3A = arith.constant 0 : i32
      %cond3A_95 = arith.cmpi ne, %convert_element_type3A, %cond3A : i32
      scf.if %cond3A_95 {
        %add3A_97 = arith.constant 2 : i32
        %add3A_98 = arith.addi %add3A_57, %add3A_97 : i32
        %dma_start3A_99 = arith.constant 0 : i32
        %dma_start3A_100 = tpu.memref_slice %arg3[%add3A, %add3A_98, %dma_start3A_99] : memref<32x125x80xi32, #tpu.memory_space<hbm>> -> memref<1x1x80xi32, #tpu.memory_space<hbm>>
        %dma_start3A_101 = tpu.memref_squeeze %dma_start3A_100 : memref<1x1x80xi32, #tpu.memory_space<hbm>> -> memref<80xi32, #tpu.memory_space<hbm>>
        %dma_start3A_102 = arith.constant 0 : i32
        %dma_start3A_103 = tpu.memref_slice %arg3[%add3A, %add3A_98, %dma_start3A_102] : memref<32x125x80xi32, #tpu.memory_space<hbm>> -> memref<1x1x80xi32, #tpu.memory_space<hbm>>
        %dma_start3A_104 = tpu.memref_squeeze %dma_start3A_103 : memref<1x1x80xi32, #tpu.memory_space<hbm>> -> memref<80xi32, #tpu.memory_space<hbm>>
        tpu.enqueue_dma source(%dma_start3A_104 : memref<80xi32, #tpu.memory_space<hbm>>) target(%arg9 : memref<80xi32, #tpu.memory_space<vmem>>) target_semaphore(%arg13 : memref<!tpu.dma_semaphore, #tpu.memory_space<semaphore_mem>>)
      } else {
      }
      "tpu.region"() ({
        %run_scoped3A_97 = tpu.sem_alloc : memref<!tpu.dma_semaphore, #tpu.memory_space<semaphore_mem>>
        %dma_start3A_98 = arith.constant 0 : i32
        %dma_start3A_99 = tpu.memref_slice %arg7[%add3A_57, %dma_start3A_98] : memref<125x80xi32, #tpu.memory_space<vmem>> -> memref<1x80xi32, #tpu.memory_space<vmem>>
        %dma_start3A_100 = tpu.memref_squeeze %dma_start3A_99 : memref<1x80xi32, #tpu.memory_space<vmem>> -> memref<80xi32, #tpu.memory_space<vmem>>
        %dma_start3A_101 = arith.constant 0 : i32
        %dma_start3A_102 = arith.constant 0 : i32
        %dma_start3A_103 = tpu.memref_slice %arg6[%dma_start3A_101, %dma_start3A_102] : memref<10240x128xf32, #tpu.memory_space<vmem_shared>> -> memref<10240x128xf32, #tpu.memory_space<vmem_shared>>
        tpu.enqueue_indirect_dma source(%arg11 : memref<80x128xf32, #tpu.memory_space<vmem>>) target(%dma_start3A_103 : memref<10240x128xf32, #tpu.memory_space<vmem_shared>>) offsets(%dma_start3A_100 : memref<80xi32, #tpu.memory_space<vmem>>) semaphore(%run_scoped3A_97 : memref<!tpu.dma_semaphore, #tpu.memory_space<semaphore_mem>>) {add = true}
        %dma_wait3A_104 = arith.constant 0 : i32
        %dma_wait3A_105 = tpu.memref_slice %arg7[%add3A_57, %dma_wait3A_104] : memref<125x80xi32, #tpu.memory_space<vmem>> -> memref<1x80xi32, #tpu.memory_space<vmem>>
        %dma_wait3A_106 = tpu.memref_squeeze %dma_wait3A_105 : memref<1x80xi32, #tpu.memory_space<vmem>> -> memref<80xi32, #tpu.memory_space<vmem>>
        %dma_wait3A_107 = arith.constant 0 : i32
        %dma_wait3A_108 = arith.constant 0 : i32
        %dma_wait3A_109 = tpu.memref_slice %arg6[%dma_wait3A_107, %dma_wait3A_108] : memref<10240x128xf32, #tpu.memory_space<vmem_shared>> -> memref<10240x128xf32, #tpu.memory_space<vmem_shared>>
        tpu.wait_indirect_dma semaphore(%run_scoped3A_97 : memref<!tpu.dma_semaphore, #tpu.memory_space<semaphore_mem>>) src(%arg11 : memref<80x128xf32, #tpu.memory_space<vmem>>) dst(%dma_wait3A_109 : memref<10240x128xf32, #tpu.memory_space<vmem_shared>>)
        tpu.yield
      }) : () -> ()
      %scan3A_96 = arith.constant 0 : i32
      scf.yield %scan3A_96 : i32
    }
    %scan3A_43 = arith.constant 62 : i32
    %dma_wait3A_44 = arith.constant 0 : i32
    %dma_wait3A_45 = arith.constant 0 : i32
    %dma_wait3A_46 = tpu.memref_slice %arg2[%dma_wait3A_44, %dma_wait3A_45] : memref<10000x128xf32, #tpu.memory_space<hbm>> -> memref<10000x128xf32, #tpu.memory_space<hbm>>
    tpu.wait_indirect_dma semaphore(%arg14 : memref<!tpu.dma_semaphore, #tpu.memory_space<semaphore_mem>>) src(%dma_wait3A_46 : memref<10000x128xf32, #tpu.memory_space<hbm>>) dst(%arg10 : memref<80x128xf32, #tpu.memory_space<vmem>>)
    %run_scoped3A = arith.constant 124 : i32
    "tpu.region"() ({
      %run_scoped3A_52 = tpu.sem_alloc : memref<!tpu.dma_semaphore, #tpu.memory_space<semaphore_mem>>
      %dma_start3A_53 = arith.constant 0 : i32
      %dma_start3A_54 = tpu.memref_slice %arg7[%run_scoped3A, %dma_start3A_53] : memref<125x80xi32, #tpu.memory_space<vmem>> -> memref<1x80xi32, #tpu.memory_space<vmem>>
      %dma_start3A_55 = tpu.memref_squeeze %dma_start3A_54 : memref<1x80xi32, #tpu.memory_space<vmem>> -> memref<80xi32, #tpu.memory_space<vmem>>
      %dma_start3A_56 = arith.constant 0 : i32
      %dma_start3A_57 = arith.constant 0 : i32
      %dma_start3A_58 = tpu.memref_slice %arg6[%dma_start3A_56, %dma_start3A_57] : memref<10240x128xf32, #tpu.memory_space<vmem_shared>> -> memref<10240x128xf32, #tpu.memory_space<vmem_shared>>
      tpu.enqueue_indirect_dma source(%arg10 : memref<80x128xf32, #tpu.memory_space<vmem>>) target(%dma_start3A_58 : memref<10240x128xf32, #tpu.memory_space<vmem_shared>>) offsets(%dma_start3A_55 : memref<80xi32, #tpu.memory_space<vmem>>) semaphore(%run_scoped3A_52 : memref<!tpu.dma_semaphore, #tpu.memory_space<semaphore_mem>>) {add = true}
      %dma_wait3A_59 = arith.constant 0 : i32
      %dma_wait3A_60 = tpu.memref_slice %arg7[%run_scoped3A, %dma_wait3A_59] : memref<125x80xi32, #tpu.memory_space<vmem>> -> memref<1x80xi32, #tpu.memory_space<vmem>>
      %dma_wait3A_61 = tpu.memref_squeeze %dma_wait3A_60 : memref<1x80xi32, #tpu.memory_space<vmem>> -> memref<80xi32, #tpu.memory_space<vmem>>
      %dma_wait3A_62 = arith.constant 0 : i32
      %dma_wait3A_63 = arith.constant 0 : i32
      %dma_wait3A_64 = tpu.memref_slice %arg6[%dma_wait3A_62, %dma_wait3A_63] : memref<10240x128xf32, #tpu.memory_space<vmem_shared>> -> memref<10240x128xf32, #tpu.memory_space<vmem_shared>>
      tpu.wait_indirect_dma semaphore(%run_scoped3A_52 : memref<!tpu.dma_semaphore, #tpu.memory_space<semaphore_mem>>) src(%arg10 : memref<80x128xf32, #tpu.memory_space<vmem>>) dst(%dma_wait3A_64 : memref<10240x128xf32, #tpu.memory_space<vmem_shared>>)
      tpu.yield
    }) : () -> ()
    %barrier3A_47 = arith.constant 0 : index
    tpu.barrier barrier_id(%barrier3A_47)
    %mul3A_48 = arith.constant 640 : i32
    %mul3A_49 = arith.muli %arg1, %mul3A_48 : i32
    %mul3A_50 = arith.constant 640 : i32
    %mul3A_51 = arith.muli %arg1, %mul3A_50 : i32
    "tpu.region"() ({
      %run_scoped3A_52 = tpu.sem_alloc : memref<!tpu.dma_semaphore, #tpu.memory_space<semaphore_mem>>
      %dma_start3A_53 = arith.constant 0 : i32
      %dma_start3A_54 = tpu.memref_slice %arg5[%arg0, %mul3A_51, %dma_start3A_53] : memref<2x10240x128xf32, #tpu.memory_space<hbm>> -> memref<1x640x128xf32, #tpu.memory_space<hbm>>
      %dma_start3A_55 = tpu.memref_squeeze %dma_start3A_54 : memref<1x640x128xf32, #tpu.memory_space<hbm>> -> memref<640x128xf32, #tpu.memory_space<hbm>>
      %dma_start3A_56 = arith.constant 0 : i32
      %dma_start3A_57 = tpu.memref_slice %arg6[%mul3A_49, %dma_start3A_56] : memref<10240x128xf32, #tpu.memory_space<vmem_shared>> -> memref<640x128xf32, #tpu.memory_space<vmem_shared>>
      tpu.enqueue_dma source(%dma_start3A_57 : memref<640x128xf32, #tpu.memory_space<vmem_shared>>) target(%dma_start3A_55 : memref<640x128xf32, #tpu.memory_space<hbm>>) target_semaphore(%run_scoped3A_52 : memref<!tpu.dma_semaphore, #tpu.memory_space<semaphore_mem>>)
      %dma_wait3A_58 = arith.constant 0 : i32
      %dma_wait3A_59 = tpu.memref_slice %arg5[%arg0, %mul3A_51, %dma_wait3A_58] : memref<2x10240x128xf32, #tpu.memory_space<hbm>> -> memref<1x640x128xf32, #tpu.memory_space<hbm>>
      %dma_wait3A_60 = tpu.memref_squeeze %dma_wait3A_59 : memref<1x640x128xf32, #tpu.memory_space<hbm>> -> memref<640x128xf32, #tpu.memory_space<hbm>>
      %dma_wait3A_61 = arith.constant 0 : i32
      %dma_wait3A_62 = tpu.memref_slice %arg6[%mul3A_49, %dma_wait3A_61] : memref<10240x128xf32, #tpu.memory_space<vmem_shared>> -> memref<640x128xf32, #tpu.memory_space<vmem_shared>>
      tpu.wait_dma2 semaphore(%run_scoped3A_52 : memref<!tpu.dma_semaphore, #tpu.memory_space<semaphore_mem>>) src(%dma_wait3A_62 : memref<640x128xf32, #tpu.memory_space<vmem_shared>>) dst(%dma_wait3A_60 : memref<640x128xf32, #tpu.memory_space<hbm>>)
      tpu.yield
    }) : () -> ()
    return
  }
}

#map = affine_map<(d0, d1) -> (0, 0)>
#map1 = affine_map<(d0, d1) -> (0, 0, 0)>
module attributes {stable_mosaic.version = 14 : i64} {
  func.func @body(%arg0: i32, %arg1: i32, %arg2: memref<10000x128xf32, #tpu.memory_space<hbm>>, %arg3: memref<32x125x80xi32, #tpu.memory_space<hbm>>, %arg4: memref<32x125x80xi32, #tpu.memory_space<hbm>>, %arg5: memref<2x10240x128xf32, #tpu.memory_space<hbm>>, %arg6: memref<10240x128xf32, #tpu.memory_space<vmem_shared>>, %arg7: memref<125x80xi32, #tpu.memory_space<vmem>>, %arg8: memref<80xi32, #tpu.memory_space<vmem>>, %arg9: memref<80xi32, #tpu.memory_space<vmem>>, %arg10: memref<80x128xf32, #tpu.memory_space<vmem>>, %arg11: memref<80x128xf32, #tpu.memory_space<vmem>>, %arg12: memref<!tpu.dma_semaphore, #tpu.memory_space<semaphore_mem>>, %arg13: memref<!tpu.dma_semaphore, #tpu.memory_space<semaphore_mem>>, %arg14: memref<!tpu.dma_semaphore, #tpu.memory_space<semaphore_mem>>, %arg15: memref<!tpu.dma_semaphore, #tpu.memory_space<semaphore_mem>>) attributes {dimension_semantics = [#tpu.dimension_semantics<core_parallel>, #tpu.dimension_semantics<subcore_parallel>], iteration_bounds = array<i64: 2, 16>, scalar_prefetch = 0 : i64, scratch_operands = 10 : i64, tpu.core_type = #tpu.core_type<sc_vector_subcore>, window_params = [{transform_indices = #map}, {transform_indices = #map1}, {transform_indices = #map1}, {transform_indices = #map1}]} {
    %mul3A = arith.constant 16 : i32
    %mul3A_0 = arith.muli %arg0, %mul3A : i32
    %add3A = arith.addi %mul3A_0, %arg1 : i32
    %dma_start3A = arith.constant 0 : i32
    %dma_start3A_1 = arith.constant 0 : i32
    %dma_start3A_2 = tpu.memref_slice %arg3[%add3A, %dma_start3A, %dma_start3A_1] : memref<32x125x80xi32, #tpu.memory_space<hbm>> -> memref<1x1x80xi32, #tpu.memory_space<hbm>>
    %dma_start3A_3 = tpu.memref_squeeze %dma_start3A_2 : memref<1x1x80xi32, #tpu.memory_space<hbm>> -> memref<80xi32, #tpu.memory_space<hbm>>
    %dma_start3A_4 = arith.constant 0 : i32
    %dma_start3A_5 = tpu.memref_slice %arg3[%add3A, %dma_start3A, %dma_start3A_4] : memref<32x125x80xi32, #tpu.memory_space<hbm>> -> memref<1x1x80xi32, #tpu.memory_space<hbm>>
    %dma_start3A_6 = tpu.memref_squeeze %dma_start3A_5 : memref<1x1x80xi32, #tpu.memory_space<hbm>> -> memref<80xi32, #tpu.memory_space<hbm>>
    tpu.enqueue_dma source(%dma_start3A_6 : memref<80xi32, #tpu.memory_space<hbm>>) target(%arg8 : memref<80xi32, #tpu.memory_space<vmem>>) target_semaphore(%arg12 : memref<!tpu.dma_semaphore, #tpu.memory_space<semaphore_mem>>)
    %dma_start3A_7 = arith.constant 1 : i32
    %dma_start3A_8 = arith.constant 0 : i32
    %dma_start3A_9 = tpu.memref_slice %arg3[%add3A, %dma_start3A_7, %dma_start3A_8] : memref<32x125x80xi32, #tpu.memory_space<hbm>> -> memref<1x1x80xi32, #tpu.memory_space<hbm>>
    %dma_start3A_10 = tpu.memref_squeeze %dma_start3A_9 : memref<1x1x80xi32, #tpu.memory_space<hbm>> -> memref<80xi32, #tpu.memory_space<hbm>>
    %dma_start3A_11 = arith.constant 0 : i32
    %dma_start3A_12 = tpu.memref_slice %arg3[%add3A, %dma_start3A_7, %dma_start3A_11] : memref<32x125x80xi32, #tpu.memory_space<hbm>> -> memref<1x1x80xi32, #tpu.memory_space<hbm>>
    %dma_start3A_13 = tpu.memref_squeeze %dma_start3A_12 : memref<1x1x80xi32, #tpu.memory_space<hbm>> -> memref<80xi32, #tpu.memory_space<hbm>>
    tpu.enqueue_dma source(%dma_start3A_13 : memref<80xi32, #tpu.memory_space<hbm>>) target(%arg9 : memref<80xi32, #tpu.memory_space<vmem>>) target_semaphore(%arg13 : memref<!tpu.dma_semaphore, #tpu.memory_space<semaphore_mem>>)
    "tpu.region"() ({
      %run_scoped3A_52 = tpu.sem_alloc : memref<!tpu.dma_semaphore, #tpu.memory_space<semaphore_mem>>
      %dma_start3A_53 = arith.constant 0 : i32
      %dma_start3A_54 = arith.constant 0 : i32
      %dma_start3A_55 = tpu.memref_slice %arg4[%add3A, %dma_start3A_53, %dma_start3A_54] : memref<32x125x80xi32, #tpu.memory_space<hbm>> -> memref<1x125x80xi32, #tpu.memory_space<hbm>>
      %dma_start3A_56 = tpu.memref_squeeze %dma_start3A_55 : memref<1x125x80xi32, #tpu.memory_space<hbm>> -> memref<125x80xi32, #tpu.memory_space<hbm>>
      %dma_start3A_57 = arith.constant 0 : i32
      %dma_start3A_58 = arith.constant 0 : i32
      %dma_start3A_59 = tpu.memref_slice %arg4[%add3A, %dma_start3A_57, %dma_start3A_58] : memref<32x125x80xi32, #tpu.memory_space<hbm>> -> memref<1x125x80xi32, #tpu.memory_space<hbm>>
      %dma_start3A_60 = tpu.memref_squeeze %dma_start3A_59 : memref<1x125x80xi32, #tpu.memory_space<hbm>> -> memref<125x80xi32, #tpu.memory_space<hbm>>
      tpu.enqueue_dma source(%dma_start3A_60 : memref<125x80xi32, #tpu.memory_space<hbm>>) target(%arg7 : memref<125x80xi32, #tpu.memory_space<vmem>>) target_semaphore(%run_scoped3A_52 : memref<!tpu.dma_semaphore, #tpu.memory_space<semaphore_mem>>)
      %dma_wait3A_61 = arith.constant 0 : i32
      %dma_wait3A_62 = arith.constant 0 : i32
      %dma_wait3A_63 = tpu.memref_slice %arg4[%add3A, %dma_wait3A_61, %dma_wait3A_62] : memref<32x125x80xi32, #tpu.memory_space<hbm>> -> memref<1x125x80xi32, #tpu.memory_space<hbm>>
      %dma_wait3A_64 = tpu.memref_squeeze %dma_wait3A_63 : memref<1x125x80xi32, #tpu.memory_space<hbm>> -> memref<125x80xi32, #tpu.memory_space<hbm>>
      %dma_wait3A_65 = arith.constant 0 : i32
      %dma_wait3A_66 = arith.constant 0 : i32
      %dma_wait3A_67 = tpu.memref_slice %arg4[%add3A, %dma_wait3A_65, %dma_wait3A_66] : memref<32x125x80xi32, #tpu.memory_space<hbm>> -> memref<1x125x80xi32, #tpu.memory_space<hbm>>
      %dma_wait3A_68 = tpu.memref_squeeze %dma_wait3A_67 : memref<1x125x80xi32, #tpu.memory_space<hbm>> -> memref<125x80xi32, #tpu.memory_space<hbm>>
      tpu.wait_dma2 semaphore(%run_scoped3A_52 : memref<!tpu.dma_semaphore, #tpu.memory_space<semaphore_mem>>) src(%dma_wait3A_68 : memref<125x80xi32, #tpu.memory_space<hbm>>) dst(%arg7 : memref<125x80xi32, #tpu.memory_space<vmem>>)
      tpu.yield
    }) : () -> ()
    %broadcast_in_dim3A = arith.constant 0.000000e+00 : f32
    %broadcast_in_dim3A_14 = vector.broadcast %broadcast_in_dim3A : f32 to vector<16xf32>
    %scan3A = arith.constant 0 : i32
    %scan3A_15 = arith.constant 0 : i32
    %scan3A_16 = arith.constant 80 : i32
    %scan3A_17 = arith.addi %scan3A_15, %scan3A_16 : i32
    %scan3A_18 = arith.constant 1 : i32
    %scan3A_19 = scf.for %scan3A_52 = %scan3A_15 to %scan3A_17 step %scan3A_18 iter_args(%scan3A_53 = %scan3A) -> (i32)  : i32 {
      %scan3A_54 = arith.constant 0 : i32
      %scan3A_55 = arith.constant 0 : i32
      %scan3A_56 = arith.constant 8 : i32
      %scan3A_57 = arith.addi %scan3A_55, %scan3A_56 : i32
      %scan3A_58 = arith.constant 1 : i32
      %scan3A_59 = scf.for %scan3A_62 = %scan3A_55 to %scan3A_57 step %scan3A_58 iter_args(%scan3A_63 = %scan3A_54) -> (i32)  : i32 {
        %mul3A_64 = arith.constant 16 : i32
        %mul3A_65 = arith.muli %scan3A_62, %mul3A_64 : i32
        %swap3A = arith.index_cast %scan3A_52 : i32 to index
        %swap3A_66 = arith.index_cast %mul3A_65 : i32 to index
        %swap3A_67 = tpu.vector_load %arg10[%swap3A, %swap3A_66] {strides = array<i32>} : memref<80x128xf32, #tpu.memory_space<vmem>>, vector<16xf32>,
        tpu.vector_store %arg10[%swap3A, %swap3A_66], %broadcast_in_dim3A_14 {strides = array<i32>} : memref<80x128xf32, #tpu.memory_space<vmem>>, vector<16xf32>,
        %scan3A_68 = arith.constant 0 : i32
        scf.yield %scan3A_68 : i32
      }
      %scan3A_60 = arith.constant 8 : i32
      %scan3A_61 = arith.constant 0 : i32
      scf.yield %scan3A_61 : i32
    }
    %scan3A_20 = arith.constant 80 : i32
    %scan3A_21 = arith.constant 0 : i32
    %scan3A_22 = arith.constant 0 : i32
    %scan3A_23 = arith.constant 8 : i32
    %scan3A_24 = arith.addi %scan3A_22, %scan3A_23 : i32
    %scan3A_25 = arith.constant 1 : i32
    %scan3A_26 = scf.for %scan3A_52 = %scan3A_22 to %scan3A_24 step %scan3A_25 iter_args(%scan3A_53 = %scan3A_21) -> (i32)  : i32 {
      %mul3A_54 = arith.constant 640 : i32
      %mul3A_55 = arith.muli %arg1, %mul3A_54 : i32
      %mul3A_56 = arith.constant 80 : i32
      %mul3A_57 = arith.muli %scan3A_52, %mul3A_56 : i32
      %add3A_58 = arith.addi %mul3A_55, %mul3A_57 : i32
      "tpu.region"() ({
        %run_scoped3A_60 = tpu.sem_alloc : memref<!tpu.dma_semaphore, #tpu.memory_space<semaphore_mem>>
        %dma_start3A_61 = arith.constant 0 : i32
        %dma_start3A_62 = tpu.memref_slice %arg6[%add3A_58, %dma_start3A_61] : memref<10240x128xf32, #tpu.memory_space<vmem_shared>> -> memref<80x128xf32, #tpu.memory_space<vmem_shared>>
        %dma_start3A_63 = arith.constant 0 : i32
        %dma_start3A_64 = tpu.memref_slice %arg6[%add3A_58, %dma_start3A_63] : memref<10240x128xf32, #tpu.memory_space<vmem_shared>> -> memref<80x128xf32, #tpu.memory_space<vmem_shared>>
        tpu.enqueue_dma source(%arg10 : memref<80x128xf32, #tpu.memory_space<vmem>>) target(%dma_start3A_64 : memref<80x128xf32, #tpu.memory_space<vmem_shared>>) target_semaphore(%run_scoped3A_60 : memref<!tpu.dma_semaphore, #tpu.memory_space<semaphore_mem>>)
        %dma_wait3A_65 = arith.constant 0 : i32
        %dma_wait3A_66 = tpu.memref_slice %arg6[%add3A_58, %dma_wait3A_65] : memref<10240x128xf32, #tpu.memory_space<vmem_shared>> -> memref<80x128xf32, #tpu.memory_space<vmem_shared>>
        %dma_wait3A_67 = arith.constant 0 : i32
        %dma_wait3A_68 = tpu.memref_slice %arg6[%add3A_58, %dma_wait3A_67] : memref<10240x128xf32, #tpu.memory_space<vmem_shared>> -> memref<80x128xf32, #tpu.memory_space<vmem_shared>>
        tpu.wait_dma2 semaphore(%run_scoped3A_60 : memref<!tpu.dma_semaphore, #tpu.memory_space<semaphore_mem>>) src(%arg10 : memref<80x128xf32, #tpu.memory_space<vmem>>) dst(%dma_wait3A_68 : memref<80x128xf32, #tpu.memory_space<vmem_shared>>)
        tpu.yield
      }) : () -> ()
      %scan3A_59 = arith.constant 0 : i32
      scf.yield %scan3A_59 : i32
    }
    %scan3A_27 = arith.constant 8 : i32
    %barrier3A = arith.constant 0 : index
    tpu.barrier barrier_id(%barrier3A)
    %dma_wait3A = arith.constant 0 : i32
    %dma_wait3A_28 = arith.constant 0 : i32
    %dma_wait3A_29 = tpu.memref_slice %arg3[%add3A, %dma_wait3A, %dma_wait3A_28] : memref<32x125x80xi32, #tpu.memory_space<hbm>> -> memref<1x1x80xi32, #tpu.memory_space<hbm>>
    %dma_wait3A_30 = tpu.memref_squeeze %dma_wait3A_29 : memref<1x1x80xi32, #tpu.memory_space<hbm>> -> memref<80xi32, #tpu.memory_space<hbm>>
    %dma_wait3A_31 = arith.constant 0 : i32
    %dma_wait3A_32 = tpu.memref_slice %arg3[%add3A, %dma_wait3A, %dma_wait3A_31] : memref<32x125x80xi32, #tpu.memory_space<hbm>> -> memref<1x1x80xi32, #tpu.memory_space<hbm>>
    %dma_wait3A_33 = tpu.memref_squeeze %dma_wait3A_32 : memref<1x1x80xi32, #tpu.memory_space<hbm>> -> memref<80xi32, #tpu.memory_space<hbm>>
    tpu.wait_dma2 semaphore(%arg12 : memref<!tpu.dma_semaphore, #tpu.memory_space<semaphore_mem>>) src(%dma_wait3A_33 : memref<80xi32, #tpu.memory_space<hbm>>) dst(%arg8 : memref<80xi32, #tpu.memory_space<vmem>>)
    %dma_start3A_34 = arith.constant 0 : i32
    %dma_start3A_35 = arith.constant 0 : i32
    %dma_start3A_36 = tpu.memref_slice %arg2[%dma_start3A_34, %dma_start3A_35] : memref<10000x128xf32, #tpu.memory_space<hbm>> -> memref<10000x128xf32, #tpu.memory_space<hbm>>
    tpu.enqueue_indirect_dma source(%dma_start3A_36 : memref<10000x128xf32, #tpu.memory_space<hbm>>) target(%arg10 : memref<80x128xf32, #tpu.memory_space<vmem>>) offsets(%arg8 : memref<80xi32, #tpu.memory_space<vmem>>) semaphore(%arg14 : memref<!tpu.dma_semaphore, #tpu.memory_space<semaphore_mem>>)
    %scan3A_37 = arith.constant 0 : i32
    %scan3A_38 = arith.constant 0 : i32
    %scan3A_39 = arith.constant 62 : i32
    %scan3A_40 = arith.addi %scan3A_38, %scan3A_39 : i32
    %scan3A_41 = arith.constant 1 : i32
    %scan3A_42 = scf.for %scan3A_52 = %scan3A_38 to %scan3A_40 step %scan3A_41 iter_args(%scan3A_53 = %scan3A_37) -> (i32)  : i32 {
      %mul3A_54 = arith.constant 2 : i32
      %mul3A_55 = arith.muli %mul3A_54, %scan3A_52 : i32
      %add3A_56 = arith.constant 1 : i32
      %add3A_57 = arith.addi %mul3A_55, %add3A_56 : i32
      %dma_wait3A_58 = arith.constant 1 : i32
      %dma_wait3A_59 = arith.constant 0 : i32
      %dma_wait3A_60 = tpu.memref_slice %arg3[%add3A, %dma_wait3A_58, %dma_wait3A_59] : memref<32x125x80xi32, #tpu.memory_space<hbm>> -> memref<1x1x80xi32, #tpu.memory_space<hbm>>
      %dma_wait3A_61 = tpu.memref_squeeze %dma_wait3A_60 : memref<1x1x80xi32, #tpu.memory_space<hbm>> -> memref<80xi32, #tpu.memory_space<hbm>>
      %dma_wait3A_62 = arith.constant 0 : i32
      %dma_wait3A_63 = tpu.memref_slice %arg3[%add3A, %dma_wait3A_58, %dma_wait3A_62] : memref<32x125x80xi32, #tpu.memory_space<hbm>> -> memref<1x1x80xi32, #tpu.memory_space<hbm>>
      %dma_wait3A_64 = tpu.memref_squeeze %dma_wait3A_63 : memref<1x1x80xi32, #tpu.memory_space<hbm>> -> memref<80xi32, #tpu.memory_space<hbm>>
      tpu.wait_dma2 semaphore(%arg13 : memref<!tpu.dma_semaphore, #tpu.memory_space<semaphore_mem>>) src(%dma_wait3A_64 : memref<80xi32, #tpu.memory_space<hbm>>) dst(%arg9 : memref<80xi32, #tpu.memory_space<vmem>>)
      %dma_start3A_65 = arith.constant 0 : i32
      %dma_start3A_66 = arith.constant 0 : i32
      %dma_start3A_67 = tpu.memref_slice %arg2[%dma_start3A_65, %dma_start3A_66] : memref<10000x128xf32, #tpu.memory_space<hbm>> -> memref<10000x128xf32, #tpu.memory_space<hbm>>
      tpu.enqueue_indirect_dma source(%dma_start3A_67 : memref<10000x128xf32, #tpu.memory_space<hbm>>) target(%arg11 : memref<80x128xf32, #tpu.memory_space<vmem>>) offsets(%arg9 : memref<80xi32, #tpu.memory_space<vmem>>) semaphore(%arg15 : memref<!tpu.dma_semaphore, #tpu.memory_space<semaphore_mem>>)
      %dma_wait3A_68 = arith.constant 0 : i32
      %dma_wait3A_69 = arith.constant 0 : i32
      %dma_wait3A_70 = tpu.memref_slice %arg2[%dma_wait3A_68, %dma_wait3A_69] : memref<10000x128xf32, #tpu.memory_space<hbm>> -> memref<10000x128xf32, #tpu.memory_space<hbm>>
      tpu.wait_indirect_dma semaphore(%arg14 : memref<!tpu.dma_semaphore, #tpu.memory_space<semaphore_mem>>) src(%dma_wait3A_70 : memref<10000x128xf32, #tpu.memory_space<hbm>>) dst(%arg10 : memref<80x128xf32, #tpu.memory_space<vmem>>)
      %add3A_71 = arith.constant 2 : i32
      %add3A_72 = arith.addi %mul3A_55, %add3A_71 : i32
      %dma_start3A_73 = arith.constant 0 : i32
      %dma_start3A_74 = tpu.memref_slice %arg3[%add3A, %add3A_72, %dma_start3A_73] : memref<32x125x80xi32, #tpu.memory_space<hbm>> -> memref<1x1x80xi32, #tpu.memory_space<hbm>>
      %dma_start3A_75 = tpu.memref_squeeze %dma_start3A_74 : memref<1x1x80xi32, #tpu.memory_space<hbm>> -> memref<80xi32, #tpu.memory_space<hbm>>
      %dma_start3A_76 = arith.constant 0 : i32
      %dma_start3A_77 = tpu.memref_slice %arg3[%add3A, %add3A_72, %dma_start3A_76] : memref<32x125x80xi32, #tpu.memory_space<hbm>> -> memref<1x1x80xi32, #tpu.memory_space<hbm>>
      %dma_start3A_78 = tpu.memref_squeeze %dma_start3A_77 : memref<1x1x80xi32, #tpu.memory_space<hbm>> -> memref<80xi32, #tpu.memory_space<hbm>>
      tpu.enqueue_dma source(%dma_start3A_78 : memref<80xi32, #tpu.memory_space<hbm>>) target(%arg8 : memref<80xi32, #tpu.memory_space<vmem>>) target_semaphore(%arg12 : memref<!tpu.dma_semaphore, #tpu.memory_space<semaphore_mem>>)
      "tpu.region"() ({
        %run_scoped3A_97 = tpu.sem_alloc : memref<!tpu.dma_semaphore, #tpu.memory_space<semaphore_mem>>
        %dma_start3A_98 = arith.constant 0 : i32
        %dma_start3A_99 = tpu.memref_slice %arg7[%mul3A_55, %dma_start3A_98] : memref<125x80xi32, #tpu.memory_space<vmem>> -> memref<1x80xi32, #tpu.memory_space<vmem>>
        %dma_start3A_100 = tpu.memref_squeeze %dma_start3A_99 : memref<1x80xi32, #tpu.memory_space<vmem>> -> memref<80xi32, #tpu.memory_space<vmem>>
        %dma_start3A_101 = arith.constant 0 : i32
        %dma_start3A_102 = arith.constant 0 : i32
        %dma_start3A_103 = tpu.memref_slice %arg6[%dma_start3A_101, %dma_start3A_102] : memref<10240x128xf32, #tpu.memory_space<vmem_shared>> -> memref<10240x128xf32, #tpu.memory_space<vmem_shared>>
        tpu.enqueue_indirect_dma source(%arg10 : memref<80x128xf32, #tpu.memory_space<vmem>>) target(%dma_start3A_103 : memref<10240x128xf32, #tpu.memory_space<vmem_shared>>) offsets(%dma_start3A_100 : memref<80xi32, #tpu.memory_space<vmem>>) semaphore(%run_scoped3A_97 : memref<!tpu.dma_semaphore, #tpu.memory_space<semaphore_mem>>) {add = true}
        %dma_wait3A_104 = arith.constant 0 : i32
        %dma_wait3A_105 = tpu.memref_slice %arg7[%mul3A_55, %dma_wait3A_104] : memref<125x80xi32, #tpu.memory_space<vmem>> -> memref<1x80xi32, #tpu.memory_space<vmem>>
        %dma_wait3A_106 = tpu.memref_squeeze %dma_wait3A_105 : memref<1x80xi32, #tpu.memory_space<vmem>> -> memref<80xi32, #tpu.memory_space<vmem>>
        %dma_wait3A_107 = arith.constant 0 : i32
        %dma_wait3A_108 = arith.constant 0 : i32
        %dma_wait3A_109 = tpu.memref_slice %arg6[%dma_wait3A_107, %dma_wait3A_108] : memref<10240x128xf32, #tpu.memory_space<vmem_shared>> -> memref<10240x128xf32, #tpu.memory_space<vmem_shared>>
        tpu.wait_indirect_dma semaphore(%run_scoped3A_97 : memref<!tpu.dma_semaphore, #tpu.memory_space<semaphore_mem>>) src(%arg10 : memref<80x128xf32, #tpu.memory_space<vmem>>) dst(%dma_wait3A_109 : memref<10240x128xf32, #tpu.memory_space<vmem_shared>>)
        tpu.yield
      }) : () -> ()
      %dma_wait3A_79 = arith.constant 0 : i32
      %dma_wait3A_80 = arith.constant 0 : i32
      %dma_wait3A_81 = tpu.memref_slice %arg3[%add3A, %dma_wait3A_79, %dma_wait3A_80] : memref<32x125x80xi32, #tpu.memory_space<hbm>> -> memref<1x1x80xi32, #tpu.memory_space<hbm>>
      %dma_wait3A_82 = tpu.memref_squeeze %dma_wait3A_81 : memref<1x1x80xi32, #tpu.memory_space<hbm>> -> memref<80xi32, #tpu.memory_space<hbm>>
      %dma_wait3A_83 = arith.constant 0 : i32
      %dma_wait3A_84 = tpu.memref_slice %arg3[%add3A, %dma_wait3A_79, %dma_wait3A_83] : memref<32x125x80xi32, #tpu.memory_space<hbm>> -> memref<1x1x80xi32, #tpu.memory_space<hbm>>
      %dma_wait3A_85 = tpu.memref_squeeze %dma_wait3A_84 : memref<1x1x80xi32, #tpu.memory_space<hbm>> -> memref<80xi32, #tpu.memory_space<hbm>>
      tpu.wait_dma2 semaphore(%arg12 : memref<!tpu.dma_semaphore, #tpu.memory_space<semaphore_mem>>) src(%dma_wait3A_85 : memref<80xi32, #tpu.memory_space<hbm>>) dst(%arg8 : memref<80xi32, #tpu.memory_space<vmem>>)
      %dma_start3A_86 = arith.constant 0 : i32
      %dma_start3A_87 = arith.constant 0 : i32
      %dma_start3A_88 = tpu.memref_slice %arg2[%dma_start3A_86, %dma_start3A_87] : memref<10000x128xf32, #tpu.memory_space<hbm>> -> memref<10000x128xf32, #tpu.memory_space<hbm>>
      tpu.enqueue_indirect_dma source(%dma_start3A_88 : memref<10000x128xf32, #tpu.memory_space<hbm>>) target(%arg10 : memref<80x128xf32, #tpu.memory_space<vmem>>) offsets(%arg8 : memref<80xi32, #tpu.memory_space<vmem>>) semaphore(%arg14 : memref<!tpu.dma_semaphore, #tpu.memory_space<semaphore_mem>>)
      %dma_wait3A_89 = arith.constant 0 : i32
      %dma_wait3A_90 = arith.constant 0 : i32
      %dma_wait3A_91 = tpu.memref_slice %arg2[%dma_wait3A_89, %dma_wait3A_90] : memref<10000x128xf32, #tpu.memory_space<hbm>> -> memref<10000x128xf32, #tpu.memory_space<hbm>>
      tpu.wait_indirect_dma semaphore(%arg15 : memref<!tpu.dma_semaphore, #tpu.memory_space<semaphore_mem>>) src(%dma_wait3A_91 : memref<10000x128xf32, #tpu.memory_space<hbm>>) dst(%arg11 : memref<80x128xf32, #tpu.memory_space<vmem>>)
      %add3A_92 = arith.constant 2 : i32
      %add3A_93 = arith.addi %add3A_57, %add3A_92 : i32
      %le3A = arith.constant 124 : i32
      %le3A_94 = arith.cmpi sle, %add3A_93, %le3A : i32
      %convert_element_type3A = arith.extui %le3A_94 : i1 to i32
      %cond3A = arith.constant 0 : i32
      %cond3A_95 = arith.cmpi ne, %convert_element_type3A, %cond3A : i32
      scf.if %cond3A_95 {
        %add3A_97 = arith.constant 2 : i32
        %add3A_98 = arith.addi %add3A_57, %add3A_97 : i32
        %dma_start3A_99 = arith.constant 0 : i32
        %dma_start3A_100 = tpu.memref_slice %arg3[%add3A, %add3A_98, %dma_start3A_99] : memref<32x125x80xi32, #tpu.memory_space<hbm>> -> memref<1x1x80xi32, #tpu.memory_space<hbm>>
        %dma_start3A_101 = tpu.memref_squeeze %dma_start3A_100 : memref<1x1x80xi32, #tpu.memory_space<hbm>> -> memref<80xi32, #tpu.memory_space<hbm>>
        %dma_start3A_102 = arith.constant 0 : i32
        %dma_start3A_103 = tpu.memref_slice %arg3[%add3A, %add3A_98, %dma_start3A_102] : memref<32x125x80xi32, #tpu.memory_space<hbm>> -> memref<1x1x80xi32, #tpu.memory_space<hbm>>
        %dma_start3A_104 = tpu.memref_squeeze %dma_start3A_103 : memref<1x1x80xi32, #tpu.memory_space<hbm>> -> memref<80xi32, #tpu.memory_space<hbm>>
        tpu.enqueue_dma source(%dma_start3A_104 : memref<80xi32, #tpu.memory_space<hbm>>) target(%arg9 : memref<80xi32, #tpu.memory_space<vmem>>) target_semaphore(%arg13 : memref<!tpu.dma_semaphore, #tpu.memory_space<semaphore_mem>>)
      } else {
      }
      "tpu.region"() ({
        %run_scoped3A_97 = tpu.sem_alloc : memref<!tpu.dma_semaphore, #tpu.memory_space<semaphore_mem>>
        %dma_start3A_98 = arith.constant 0 : i32
        %dma_start3A_99 = tpu.memref_slice %arg7[%add3A_57, %dma_start3A_98] : memref<125x80xi32, #tpu.memory_space<vmem>> -> memref<1x80xi32, #tpu.memory_space<vmem>>
        %dma_start3A_100 = tpu.memref_squeeze %dma_start3A_99 : memref<1x80xi32, #tpu.memory_space<vmem>> -> memref<80xi32, #tpu.memory_space<vmem>>
        %dma_start3A_101 = arith.constant 0 : i32
        %dma_start3A_102 = arith.constant 0 : i32
        %dma_start3A_103 = tpu.memref_slice %arg6[%dma_start3A_101, %dma_start3A_102] : memref<10240x128xf32, #tpu.memory_space<vmem_shared>> -> memref<10240x128xf32, #tpu.memory_space<vmem_shared>>
        tpu.enqueue_indirect_dma source(%arg11 : memref<80x128xf32, #tpu.memory_space<vmem>>) target(%dma_start3A_103 : memref<10240x128xf32, #tpu.memory_space<vmem_shared>>) offsets(%dma_start3A_100 : memref<80xi32, #tpu.memory_space<vmem>>) semaphore(%run_scoped3A_97 : memref<!tpu.dma_semaphore, #tpu.memory_space<semaphore_mem>>) {add = true}
        %dma_wait3A_104 = arith.constant 0 : i32
        %dma_wait3A_105 = tpu.memref_slice %arg7[%add3A_57, %dma_wait3A_104] : memref<125x80xi32, #tpu.memory_space<vmem>> -> memref<1x80xi32, #tpu.memory_space<vmem>>
        %dma_wait3A_106 = tpu.memref_squeeze %dma_wait3A_105 : memref<1x80xi32, #tpu.memory_space<vmem>> -> memref<80xi32, #tpu.memory_space<vmem>>
        %dma_wait3A_107 = arith.constant 0 : i32
        %dma_wait3A_108 = arith.constant 0 : i32
        %dma_wait3A_109 = tpu.memref_slice %arg6[%dma_wait3A_107, %dma_wait3A_108] : memref<10240x128xf32, #tpu.memory_space<vmem_shared>> -> memref<10240x128xf32, #tpu.memory_space<vmem_shared>>
        tpu.wait_indirect_dma semaphore(%run_scoped3A_97 : memref<!tpu.dma_semaphore, #tpu.memory_space<semaphore_mem>>) src(%arg11 : memref<80x128xf32, #tpu.memory_space<vmem>>) dst(%dma_wait3A_109 : memref<10240x128xf32, #tpu.memory_space<vmem_shared>>)
        tpu.yield
      }) : () -> ()
      %scan3A_96 = arith.constant 0 : i32
      scf.yield %scan3A_96 : i32
    }
    %scan3A_43 = arith.constant 62 : i32
    %dma_wait3A_44 = arith.constant 0 : i32
    %dma_wait3A_45 = arith.constant 0 : i32
    %dma_wait3A_46 = tpu.memref_slice %arg2[%dma_wait3A_44, %dma_wait3A_45] : memref<10000x128xf32, #tpu.memory_space<hbm>> -> memref<10000x128xf32, #tpu.memory_space<hbm>>
    tpu.wait_indirect_dma semaphore(%arg14 : memref<!tpu.dma_semaphore, #tpu.memory_space<semaphore_mem>>) src(%dma_wait3A_46 : memref<10000x128xf32, #tpu.memory_space<hbm>>) dst(%arg10 : memref<80x128xf32, #tpu.memory_space<vmem>>)
    %run_scoped3A = arith.constant 124 : i32
    "tpu.region"() ({
      %run_scoped3A_52 = tpu.sem_alloc : memref<!tpu.dma_semaphore, #tpu.memory_space<semaphore_mem>>
      %dma_start3A_53 = arith.constant 0 : i32
      %dma_start3A_54 = tpu.memref_slice %arg7[%run_scoped3A, %dma_start3A_53] : memref<125x80xi32, #tpu.memory_space<vmem>> -> memref<1x80xi32, #tpu.memory_space<vmem>>
      %dma_start3A_55 = tpu.memref_squeeze %dma_start3A_54 : memref<1x80xi32, #tpu.memory_space<vmem>> -> memref<80xi32, #tpu.memory_space<vmem>>
      %dma_start3A_56 = arith.constant 0 : i32
      %dma_start3A_57 = arith.constant 0 : i32
      %dma_start3A_58 = tpu.memref_slice %arg6[%dma_start3A_56, %dma_start3A_57] : memref<10240x128xf32, #tpu.memory_space<vmem_shared>> -> memref<10240x128xf32, #tpu.memory_space<vmem_shared>>
      tpu.enqueue_indirect_dma source(%arg10 : memref<80x128xf32, #tpu.memory_space<vmem>>) target(%dma_start3A_58 : memref<10240x128xf32, #tpu.memory_space<vmem_shared>>) offsets(%dma_start3A_55 : memref<80xi32, #tpu.memory_space<vmem>>) semaphore(%run_scoped3A_52 : memref<!tpu.dma_semaphore, #tpu.memory_space<semaphore_mem>>) {add = true}
      %dma_wait3A_59 = arith.constant 0 : i32
      %dma_wait3A_60 = tpu.memref_slice %arg7[%run_scoped3A, %dma_wait3A_59] : memref<125x80xi32, #tpu.memory_space<vmem>> -> memref<1x80xi32, #tpu.memory_space<vmem>>
      %dma_wait3A_61 = tpu.memref_squeeze %dma_wait3A_60 : memref<1x80xi32, #tpu.memory_space<vmem>> -> memref<80xi32, #tpu.memory_space<vmem>>
      %dma_wait3A_62 = arith.constant 0 : i32
      %dma_wait3A_63 = arith.constant 0 : i32
      %dma_wait3A_64 = tpu.memref_slice %arg6[%dma_wait3A_62, %dma_wait3A_63] : memref<10240x128xf32, #tpu.memory_space<vmem_shared>> -> memref<10240x128xf32, #tpu.memory_space<vmem_shared>>
      tpu.wait_indirect_dma semaphore(%run_scoped3A_52 : memref<!tpu.dma_semaphore, #tpu.memory_space<semaphore_mem>>) src(%arg10 : memref<80x128xf32, #tpu.memory_space<vmem>>) dst(%dma_wait3A_64 : memref<10240x128xf32, #tpu.memory_space<vmem_shared>>)
      tpu.yield
    }) : () -> ()
    %barrier3A_47 = arith.constant 0 : index
    tpu.barrier barrier_id(%barrier3A_47)
    %mul3A_48 = arith.constant 640 : i32
    %mul3A_49 = arith.muli %arg1, %mul3A_48 : i32
    %mul3A_50 = arith.constant 640 : i32
    %mul3A_51 = arith.muli %arg1, %mul3A_50 : i32
    "tpu.region"() ({
      %run_scoped3A_52 = tpu.sem_alloc : memref<!tpu.dma_semaphore, #tpu.memory_space<semaphore_mem>>
      %dma_start3A_53 = arith.constant 0 : i32
      %dma_start3A_54 = tpu.memref_slice %arg5[%arg0, %mul3A_51, %dma_start3A_53] : memref<2x10240x128xf32, #tpu.memory_space<hbm>> -> memref<1x640x128xf32, #tpu.memory_space<hbm>>
      %dma_start3A_55 = tpu.memref_squeeze %dma_start3A_54 : memref<1x640x128xf32, #tpu.memory_space<hbm>> -> memref<640x128xf32, #tpu.memory_space<hbm>>
      %dma_start3A_56 = arith.constant 0 : i32
      %dma_start3A_57 = tpu.memref_slice %arg6[%mul3A_49, %dma_start3A_56] : memref<10240x128xf32, #tpu.memory_space<vmem_shared>> -> memref<640x128xf32, #tpu.memory_space<vmem_shared>>
      tpu.enqueue_dma source(%dma_start3A_57 : memref<640x128xf32, #tpu.memory_space<vmem_shared>>) target(%dma_start3A_55 : memref<640x128xf32, #tpu.memory_space<hbm>>) target_semaphore(%run_scoped3A_52 : memref<!tpu.dma_semaphore, #tpu.memory_space<semaphore_mem>>)
      %dma_wait3A_58 = arith.constant 0 : i32
      %dma_wait3A_59 = tpu.memref_slice %arg5[%arg0, %mul3A_51, %dma_wait3A_58] : memref<2x10240x128xf32, #tpu.memory_space<hbm>> -> memref<1x640x128xf32, #tpu.memory_space<hbm>>
      %dma_wait3A_60 = tpu.memref_squeeze %dma_wait3A_59 : memref<1x640x128xf32, #tpu.memory_space<hbm>> -> memref<640x128xf32, #tpu.memory_space<hbm>>
      %dma_wait3A_61 = arith.constant 0 : i32
      %dma_wait3A_62 = tpu.memref_slice %arg6[%mul3A_49, %dma_wait3A_61] : memref<10240x128xf32, #tpu.memory_space<vmem_shared>> -> memref<640x128xf32, #tpu.memory_space<vmem_shared>>
      tpu.wait_dma2 semaphore(%run_scoped3A_52 : memref<!tpu.dma_semaphore, #tpu.memory_space<semaphore_mem>>) src(%dma_wait3A_62 : memref<640x128xf32, #tpu.memory_space<vmem_shared>>) dst(%dma_wait3A_60 : memref<640x128xf32, #tpu.memory_space<hbm>>)
      tpu.yield
    }) : () -> ()
    return
  }
}

module attributes {stable_mosaic.version = 14 : i64} {
  func.func @_tc1_body(%arg0: memref<32x1x10000xf32, #tpu.memory_space<vmem>>, %arg1: memref<10000x128xf32, #tpu.memory_space<vmem>>, %arg2: memref<128x128xf32, #tpu.memory_space<vmem>>, %arg3: memref<10000x1xf32, #tpu.memory_space<vmem>>, %arg4: memref<10000x128xf32, #tpu.memory_space<vmem>>) attributes {dimension_semantics = [], scalar_prefetch = 0 : i64, scratch_operands = 0 : i64, tpu.core_type = #tpu.core_type<tc>} {
    %get3A = arith.constant 0 : index
    %get3A_0 = arith.constant 0 : index
    %get3A_1 = arith.constant 0 : index
    %get3A_2 = vector.load %arg0[%get3A, %get3A_0, %get3A_1] : memref<32x1x10000xf32, #tpu.memory_space<vmem>>, vector<32x1x10000xf32>
    %squeeze3A = vector.shape_cast %get3A_2 : vector<32x1x10000xf32> to vector<32x10000xf32>
    %broadcast_in_dim3A = arith.constant 1.000000e+00 : f32
    %broadcast_in_dim3A_3 = vector.broadcast %broadcast_in_dim3A : f32 to vector<32x1xf32>
    %dot_general3A = arith.constant dense<0.000000e+00> : vector<10000x1xf32>
    %dot_general3A_4 = tpu.matmul %squeeze3A, %broadcast_in_dim3A_3, %dot_general3A {dimension_numbers = #tpu.dot_dimension_numbers<[0], [0], [1], [1], [0, 1, 1, 1], [], []>, transpose_lhs_hint = false} : vector<32x10000xf32>, vector<32x1xf32>, vector<10000x1xf32> -> vector<10000x1xf32>
    %add3A = arith.constant 1.000000e+00 : f32
    %add3A_5 = vector.broadcast %add3A : f32 to vector<10000x1xf32>
    %add3A_6 = arith.addf %dot_general3A_4, %add3A_5 : vector<10000x1xf32>
    %rsqrt3A = math.rsqrt %add3A_6 : vector<10000x1xf32>
    %get3A_7 = arith.constant 0 : index
    %get3A_8 = arith.constant 0 : index
    %get3A_9 = vector.load %arg1[%get3A_7, %get3A_8] : memref<10000x128xf32, #tpu.memory_space<vmem>>, vector<10000x128xf32>
    %get3A_10 = arith.constant 0 : index
    %get3A_11 = arith.constant 0 : index
    %get3A_12 = vector.load %arg2[%get3A_10, %get3A_11] : memref<128x128xf32, #tpu.memory_space<vmem>>, vector<128x128xf32>
    %dot_general3A_13 = arith.constant dense<0.000000e+00> : vector<10000x128xf32>
    %dot_general3A_14 = tpu.matmul %get3A_9, %get3A_12, %dot_general3A_13 {dimension_numbers = #tpu.dot_dimension_numbers<[1], [0], [0], [1], [0, 0, 1, 1], [], []>, transpose_lhs_hint = false} : vector<10000x128xf32>, vector<128x128xf32>, vector<10000x128xf32> -> vector<10000x128xf32>
    %swap3A = arith.constant 0 : index
    %swap3A_15 = arith.constant 0 : index
    %swap3A_16 = vector.load %arg3[%swap3A, %swap3A_15] : memref<10000x1xf32, #tpu.memory_space<vmem>>, vector<10000x1xf32>
    tpu.vector_store %arg3[%swap3A, %swap3A_15], %rsqrt3A {strides = array<i32>} : memref<10000x1xf32, #tpu.memory_space<vmem>>, vector<10000x1xf32>,
    %mul3A = vector.broadcast %rsqrt3A : vector<10000x1xf32> to vector<10000x128xf32>
    %mul3A_17 = arith.mulf %dot_general3A_14, %mul3A : vector<10000x128xf32>
    %swap3A_18 = arith.constant 0 : index
    %swap3A_19 = arith.constant 0 : index
    %swap3A_20 = vector.load %arg4[%swap3A_18, %swap3A_19] : memref<10000x128xf32, #tpu.memory_space<vmem>>, vector<10000x128xf32>
    tpu.vector_store %arg4[%swap3A_18, %swap3A_19], %mul3A_17 {strides = array<i32>} : memref<10000x128xf32, #tpu.memory_space<vmem>>, vector<10000x128xf32>,
    return
  }
}

module attributes {stable_mosaic.version = 14 : i64} {
  func.func @_tc2_body(%arg0: memref<2x10240x128xf32, #tpu.memory_space<vmem>>, %arg1: memref<10000x128xf32, #tpu.memory_space<vmem>>, %arg2: memref<10000x1xf32, #tpu.memory_space<vmem>>, %arg3: memref<128xf32, #tpu.memory_space<vmem>>, %arg4: memref<128x64xf32, #tpu.memory_space<vmem>>, %arg5: memref<10000x128xf32, #tpu.memory_space<vmem>>) attributes {dimension_semantics = [], scalar_prefetch = 0 : i64, scratch_operands = 0 : i64, tpu.core_type = #tpu.core_type<tc>} {
    %get3A = arith.constant 0 : index
    %get3A_0 = arith.constant 0 : index
    %get3A_1 = arith.constant 0 : index
    %get3A_2 = vector.load %arg0[%get3A, %get3A_0, %get3A_1] : memref<2x10240x128xf32, #tpu.memory_space<vmem>>, vector<1x10000x128xf32>
    %get3A_3 = vector.shape_cast %get3A_2 : vector<1x10000x128xf32> to vector<10000x128xf32>
    %get3A_4 = arith.constant 1 : index
    %get3A_5 = arith.constant 0 : index
    %get3A_6 = arith.constant 0 : index
    %get3A_7 = vector.load %arg0[%get3A_4, %get3A_5, %get3A_6] : memref<2x10240x128xf32, #tpu.memory_space<vmem>>, vector<1x10000x128xf32>
    %get3A_8 = vector.shape_cast %get3A_7 : vector<1x10000x128xf32> to vector<10000x128xf32>
    %add3A = arith.addf %get3A_3, %get3A_8 : vector<10000x128xf32>
    %get3A_9 = arith.constant 0 : index
    %get3A_10 = arith.constant 0 : index
    %get3A_11 = vector.load %arg1[%get3A_9, %get3A_10] : memref<10000x128xf32, #tpu.memory_space<vmem>>, vector<10000x128xf32>
    %add3A_12 = arith.addf %add3A, %get3A_11 : vector<10000x128xf32>
    %get3A_13 = arith.constant 0 : index
    %get3A_14 = arith.constant 0 : index
    %get3A_15 = vector.load %arg2[%get3A_13, %get3A_14] : memref<10000x1xf32, #tpu.memory_space<vmem>>, vector<10000x1xf32>
    %mul3A = vector.broadcast %get3A_15 : vector<10000x1xf32> to vector<10000x128xf32>
    %mul3A_16 = arith.mulf %add3A_12, %mul3A : vector<10000x128xf32>
    %get3A_17 = arith.constant 0 : index
    %get3A_18 = vector.load %arg3[%get3A_17] : memref<128xf32, #tpu.memory_space<vmem>>, vector<128xf32>
    %broadcast_in_dim3A = vector.shape_cast %get3A_18 : vector<128xf32> to vector<1x128xf32>
    %add3A_19 = vector.broadcast %broadcast_in_dim3A : vector<1x128xf32> to vector<10000x128xf32>
    %add3A_20 = arith.addf %mul3A_16, %add3A_19 : vector<10000x128xf32>
    %max3A = arith.constant 0.000000e+00 : f32
    %max3A_21 = vector.broadcast %max3A : f32 to vector<10000x128xf32>
    %max3A_22 = arith.maximumf %add3A_20, %max3A_21 : vector<10000x128xf32>
    %get3A_23 = arith.constant 0 : index
    %get3A_24 = arith.constant 0 : index
    %get3A_25 = vector.load %arg4[%get3A_23, %get3A_24] : memref<128x64xf32, #tpu.memory_space<vmem>>, vector<128x64xf32>
    %dot_general3A = arith.constant dense<0.000000e+00> : vector<10000x64xf32>
    %dot_general3A_26 = tpu.matmul %max3A_22, %get3A_25, %dot_general3A {dimension_numbers = #tpu.dot_dimension_numbers<[1], [0], [0], [1], [0, 0, 1, 1], [], []>, transpose_lhs_hint = false} : vector<10000x128xf32>, vector<128x64xf32>, vector<10000x64xf32> -> vector<10000x64xf32>
    %get3A_27 = arith.constant 0 : index
    %get3A_28 = arith.constant 0 : index
    %get3A_29 = vector.load %arg2[%get3A_27, %get3A_28] : memref<10000x1xf32, #tpu.memory_space<vmem>>, vector<10000x1xf32>
    %mul3A_30 = vector.broadcast %get3A_29 : vector<10000x1xf32> to vector<10000x64xf32>
    %mul3A_31 = arith.mulf %dot_general3A_26, %mul3A_30 : vector<10000x64xf32>
    %broadcast_in_dim3A_32 = arith.constant 0.000000e+00 : f32
    %broadcast_in_dim3A_33 = vector.broadcast %broadcast_in_dim3A_32 : f32 to vector<10000x64xf32>
    %concatenate3A = tpu.concatenate %mul3A_31, %broadcast_in_dim3A_33 in 1 : vector<10000x64xf32>, vector<10000x64xf32> -> vector<10000x128xf32>
    %swap3A = arith.constant 0 : index
    %swap3A_34 = arith.constant 0 : index
    %swap3A_35 = vector.load %arg5[%swap3A, %swap3A_34] : memref<10000x128xf32, #tpu.memory_space<vmem>>, vector<10000x128xf32>
    tpu.vector_store %arg5[%swap3A, %swap3A_34], %concatenate3A {strides = array<i32>} : memref<10000x128xf32, #tpu.memory_space<vmem>>, vector<10000x128xf32>,
    return
  }
}

module attributes {stable_mosaic.version = 14 : i64} {
  func.func @_tc3_body(%arg0: memref<2x10240x128xf32, #tpu.memory_space<vmem>>, %arg1: memref<10000x128xf32, #tpu.memory_space<vmem>>, %arg2: memref<10000x1xf32, #tpu.memory_space<vmem>>, %arg3: memref<64xf32, #tpu.memory_space<vmem>>, %arg4: memref<10000x64xf32, #tpu.memory_space<vmem>>) attributes {dimension_semantics = [], scalar_prefetch = 0 : i64, scratch_operands = 0 : i64, tpu.core_type = #tpu.core_type<tc>} {
    %get3A = arith.constant 0 : index
    %get3A_0 = arith.constant 0 : index
    %get3A_1 = arith.constant 0 : index
    %get3A_2 = vector.load %arg0[%get3A, %get3A_0, %get3A_1] : memref<2x10240x128xf32, #tpu.memory_space<vmem>>, vector<1x10000x64xf32>
    %get3A_3 = vector.shape_cast %get3A_2 : vector<1x10000x64xf32> to vector<10000x64xf32>
    %get3A_4 = arith.constant 1 : index
    %get3A_5 = arith.constant 0 : index
    %get3A_6 = arith.constant 0 : index
    %get3A_7 = vector.load %arg0[%get3A_4, %get3A_5, %get3A_6] : memref<2x10240x128xf32, #tpu.memory_space<vmem>>, vector<1x10000x64xf32>
    %get3A_8 = vector.shape_cast %get3A_7 : vector<1x10000x64xf32> to vector<10000x64xf32>
    %add3A = arith.addf %get3A_3, %get3A_8 : vector<10000x64xf32>
    %get3A_9 = arith.constant 0 : index
    %get3A_10 = arith.constant 0 : index
    %get3A_11 = vector.load %arg1[%get3A_9, %get3A_10] : memref<10000x128xf32, #tpu.memory_space<vmem>>, vector<10000x64xf32>
    %add3A_12 = arith.addf %add3A, %get3A_11 : vector<10000x64xf32>
    %get3A_13 = arith.constant 0 : index
    %get3A_14 = arith.constant 0 : index
    %get3A_15 = vector.load %arg2[%get3A_13, %get3A_14] : memref<10000x1xf32, #tpu.memory_space<vmem>>, vector<10000x1xf32>
    %mul3A = vector.broadcast %get3A_15 : vector<10000x1xf32> to vector<10000x64xf32>
    %mul3A_16 = arith.mulf %add3A_12, %mul3A : vector<10000x64xf32>
    %get3A_17 = arith.constant 0 : index
    %get3A_18 = vector.load %arg3[%get3A_17] : memref<64xf32, #tpu.memory_space<vmem>>, vector<64xf32>
    %broadcast_in_dim3A = vector.shape_cast %get3A_18 : vector<64xf32> to vector<1x64xf32>
    %add3A_19 = vector.broadcast %broadcast_in_dim3A : vector<1x64xf32> to vector<10000x64xf32>
    %add3A_20 = arith.addf %mul3A_16, %add3A_19 : vector<10000x64xf32>
    %swap3A = arith.constant 0 : index
    %swap3A_21 = arith.constant 0 : index
    %swap3A_22 = vector.load %arg4[%swap3A, %swap3A_21] : memref<10000x64xf32, #tpu.memory_space<vmem>>, vector<10000x64xf32>
    tpu.vector_store %arg4[%swap3A, %swap3A_21], %add3A_20 {strides = array<i32>} : memref<10000x64xf32, #tpu.memory_space<vmem>>, vector<10000x64xf32>,
    return
  }
}

</mosaic_0001>

<sc_bundles>
// kernel: kernel.11.cloned.1.call-start
scs
__scs_entry_jumppad:
0x0: {  	(pc) =	sbr.rel $0x88, $3  }
0x1: {  	(tag) =	ssettag $0x0;
	lr =	simm.s32 $0x1  }
0x2: {  	[smem:$0x3F9B] =	sst lr;
	_ =	strace $0xD0000000  }
0x3: {  	_ = 	snop  }
0x4: {  	_ = 	snop  }
0x5: {  	_ = 	snop  }
0x6: {  	_ = 	snop  }
0x7: {  	_ = 	snop  }
__scs_overlays_trampoline_lowered:
0x8: {  	[smem:$0x3FAA] =	sst s0  }
0x9: {  	[smem:$0x3FAB] =	sst s1  }
0xa: {  	[smem:$0x3FAC] =	sst s2  }
0xb: {  	[smem:$0x3FAD] =	sst s3  }
0xc: {  	[smem:$0x3FAE] =	sst s4  }
0xd: {  	[smem:$0x3FAF] =	sst s5  }
0xe: {  	[smem:$0x3FB0] =	sst s6  }
0xf: {  	[smem:$0x3FB1] =	sst s7  }
0x10: {  	[smem:$0x3FB2] =	sst s8  }
0x11: {  	[smem:$0x3FB3] =	sst s9;
	s0 =	simm.s32 @!p0 $0x0  }
0x12: {  	s1 =	sld [smem:$0x3F99];
	s0 =	simm.s32 @p0 $0x1  }
0x13: {  	[smem:$0x3FB4] =	sst s0;
	s0 =	simm.s32 @!p1 $0x0  }
0x14: {  	s2 =	sld [smem:$0x3F98];
	s0 =	simm.s32 @p1 $0x1  }
0x15: {  	[smem:$0x3FB5] =	sst s0;
	s0 =	simm.s32 @!p2 $0x0  }
0x16: {  	s3 =	sld [smem:$0x3FDB];
	s0 =	simm.s32 @p2 $0x1  }
0x17: {  	s4 =	simm.s32 $0x1BF5;
	[smem:$0x3FB7] =	sst s0  }
0x18: {  	s0 =	sld [smem:$0x3F9A];
	_ =	swait.ge [sflag:s4], $0x0  }
0x19: {  	s7 =	sld [smem:$0x3F9B]  }
0x1a: {  	s8 =	sadd.s32 $0xFFFFE003, lr  }
0x1b: {  	s9 =	sadd.s32 $0xFFFFFEF7, lr;
	s5 =	simm.s32 $0xFFFFFFFF;
	p2 =	slt.u32 s8, $0xFFFFF086  }
0x1c: {  	p1 =	slt.u32 s9, $0xF7A;
	s5 =	simm.s32 @!p2 $0x0  }
0x1d: {  	s5 =	simm.s32 @p1 $0x1;
	p0 =	seq.s32 s7, s2  }
0x1e: {  	s7 =	smul.u32 @!p0 $0xF7A, s2;
	p2 =	seq.s32 @!p0 s5, $0x0  }
0x1f: {  	s9 =	smul.u32 $0xF7A, s1;
	s8 =	simm.s32 @!p0 $0x1BF5;
	p2 =	por !p2, p0  }
0x20: {  	[sflag:s8] =	ssyncset.s32 @!p0 $0xFFFFF086;
	s6 =	sadd.s32 @!p0 s3, s7;
	s7 =	simm.s32 @!p0 $0x108  }
0x21: {  	s3 =	sadd.s32 s3, s9;
	s6 =	sadd.s32 @!p0 $0x88, s6;
	s7 =	simm.s32 @p2 $0x1082  }
0x22: {  	[simem:s7], [sflag:s8] =	dma.local @!p0 [hbm:s6], $0xF7A  }
0x23: {  	s9 =	sor.u32 $0xD0000000, s2;
	s6 =	simm.s32 $0x108;
	_ =	swait.ge @!p0 [sflag:s8], $0x0  }
0x24: {  	s3 =	sadd.s32 $0x88, s3;
	s6 =	simm.s32 @!p1 $0x1082;
	[sflag:s4] =	ssyncset.s32 $0xFFFFF086  }
0x25: {  	[simem:s6], [sflag:s4] =	dma.local [hbm:s3], $0xF7A  }
0x26: {  	[smem:$0x3F9B] =	sst s1;
	(tag) =	ssettag s2;
	_ =	strace s9  }
0x27: {  	s1 =	sld [smem:$0x3FAB]  }
0x28: {  	s2 =	sld [smem:$0x3FAC]  }
0x29: {  	s4 =	sld [smem:$0x3FAE]  }
0x2a: {  	p0 =	seq.s32 s5, $0x0;
	s5 =	sld [smem:$0x3FAF]  }
0x2b: {  	s6 =	sld [smem:$0x3FB0]  }
0x2c: {  	s7 =	sld [smem:$0x3FB1]  }
0x2d: {  	s3 =	simm.s32 $0x108;
	s8 =	sld [smem:$0x3FB2]  }
0x2e: {  	s3 =	simm.s32 @!p0 $0x1082;
	s9 =	sld [smem:$0x3FB3]  }
0x2f: {  	lr =	sadd.s32 s0, s3;
	s0 =	sld [smem:$0x3FAA]  }
0x30: {  	s3 =	sld [smem:$0x3FAD]  }
0x31: {  	[smem:$0x3FB6] =	sst s10  }
0x32: {  	s10 =	sld [smem:$0x3FB4];
	_ =	sdelay $0x3  }
0x33: {  	p0 =	seq.s32 s10, $0x1;
	s10 =	sld [smem:$0x3FB6];
	_ =	sdelay $0x3  }
0x34: {  	[smem:$0x3FB6] =	sst s10  }
0x35: {  	s10 =	sld [smem:$0x3FB5];
	_ =	sdelay $0x3  }
0x36: {  	p1 =	seq.s32 s10, $0x1;
	s10 =	sld [smem:$0x3FB6];
	_ =	sdelay $0x3  }
0x37: {  	[smem:$0x3FB6] =	sst s10  }
0x38: {  	s10 =	sld [smem:$0x3FB7]  }
0x39: {  	_ = 	snop;
	(pc) =	sbr.ind lr, $3  }
0x3a: {  	_ = 	snop  }
0x3b: {  	_ = 	snop  }
0x3c: {  	p2 =	seq.s32 s10, $0x1;
	s10 =	sld [smem:$0x3FB6]  }
0x3d: {  	_ =	shalt  }
0x3e: {  	_ =	shalt  }
0x3f: {  	_ =	shalt  }
0x40: {  	_ =	shalt  }
0x41: {  	_ =	shalt  }
0x42: {  	_ =	shalt  }
0x43: {  	_ =	shalt  }
0x44: {  	_ =	shalt  }
0x45: {  	_ =	shalt  }
0x46: {  	_ =	shalt  }
0x47: {  	_ =	shalt  }
0x48: {  	_ =	shalt  }
0x49: {  	_ =	shalt  }
0x4a: {  	_ =	shalt  }
0x4b: {  	_ =	shalt  }
0x4c: {  	_ =	shalt  }
0x4d: {  	_ =	shalt  }
0x4e: {  	_ =	shalt  }
0x4f: {  	_ =	shalt  }
0x50: {  	_ =	shalt  }
0x51: {  	_ =	shalt  }
0x52: {  	_ =	shalt  }
0x53: {  	_ =	shalt  }
0x54: {  	_ =	shalt  }
0x55: {  	_ =	shalt  }
0x56: {  	_ =	shalt  }
0x57: {  	_ =	shalt  }
0x58: {  	_ =	shalt  }
0x59: {  	_ =	shalt  }
0x5a: {  	_ =	shalt  }
0x5b: {  	_ =	shalt  }
0x5c: {  	_ =	shalt  }
0x5d: {  	_ =	shalt  }
0x5e: {  	_ =	shalt  }
0x5f: {  	_ =	shalt  }
0x60: {  	_ =	shalt  }
0x61: {  	_ =	shalt  }
0x62: {  	_ =	shalt  }
0x63: {  	_ =	shalt  }
0x64: {  	_ =	shalt  }
0x65: {  	_ =	shalt  }
0x66: {  	_ =	shalt  }
0x67: {  	_ =	shalt  }
0x68: {  	_ =	shalt  }
0x69: {  	_ =	shalt  }
0x6a: {  	_ =	shalt  }
0x6b: {  	_ =	shalt  }
0x6c: {  	_ =	shalt  }
0x6d: {  	_ =	shalt  }
0x6e: {  	_ =	shalt  }
0x6f: {  	_ =	shalt  }
0x70: {  	_ =	shalt  }
0x71: {  	_ =	shalt  }
0x72: {  	_ =	shalt  }
0x73: {  	_ =	shalt  }
0x74: {  	_ =	shalt  }
0x75: {  	_ =	shalt  }
0x76: {  	_ =	shalt  }
0x77: {  	_ =	shalt  }
0x78: {  	_ =	shalt  }
0x79: {  	_ =	shalt  }
0x7a: {  	_ =	shalt  }
0x7b: {  	_ =	shalt  }
0x7c: {  	_ =	shalt  }
0x7d: {  	_ =	shalt  }
0x7e: {  	_ =	shalt  }
0x7f: {  	_ =	shalt  }
0x80: {  	_ =	shalt  }
0x81: {  	_ =	shalt  }
0x82: {  	_ =	shalt  }
0x83: {  	_ =	shalt  }
0x84: {  	_ =	shalt  }
0x85: {  	_ =	shalt  }
0x86: {  	_ =	shalt  }
0x87: {  	_ =	shalt  }
.Lfunc_end0:
.L_simem_size_0:
called_computation.1_lowered:
.L_overlay_start_0:
0x88: {  	s2 =	sld [smem:$0x3FD9]  }
0x89: {  	s3 =	sld [smem:$0x3FFE];
	_ =	sdelay $0x1  }
0x8a: {  	s1 =	srdreg.scid  }
0x8b: {  	s0 =	sand.u32 $0x1, s1  }
0x8c: {  	s17 =	sshll.u32 s0, $0xA;
	s2 =	sadd.s32 s3, s2  }
0x8d: {  	s2 =	sadd.s32 s2, s17  }
0x8e: {  	[smem:$0x3FC2] =	sst s2  }
0x8f: {  	_ = 	snop  }
0x90: {  	s2 =	sld [smem:$0x3FD0];
	(tm) =	ssettm $0x1  }
0x91: {  	s18 =	sld [smem:$0x3FFB];
	_ =	sdelay $0x3  }
0x92: {  	_ =	strace s18  }
0x93: {  	s3 =	sld [smem:$0x3FFC];
	_ =	sdelay $0x3  }
0x94: {  	_ =	strace s3  }
0x95: {  	s3 =	sld [smem:$0x3FFD];
	_ =	sdelay $0x3  }
0x96: {  	_ =	strace s3  }
0x97: {  	_ =	strace $0x8FFFFFFF  }
0x98: {  	s19 =	sld [smem:$0x3FDB];
	_ =	sdelay $0x1  }
0x99: {  	s4 =	simm.s32 $_scs_section_size  }
0x9a: {  	s5 =	simm.s32 $_size__tile_overlayer_lowered;
	s6 =	simm.s32 $_tile_overlayer_lowered  }
0x9b: {  	s22 =	simm.s32 $0x1BFF;
	s21 =	sshll.u32 s6, $0x1;
	s3 =	sadd.s32 s4, s19  }
0x9c: {  	s7 =	simm.s32 $0x0;
	s20 =	sshll.u32 s5, $0x1;
	s5 =	sadd.s32 s21, s3  }
0x9d: {  	[timem:s7], [sflag:s22] =	dma.local [hbm:s5], s20  }
0x9e: {  	_ =	swait.ge [sflag:s22], s20  }
0x9f: {  	s4 =	ssub.s32 $0x0, s20;
	[sflag:s22] =	ssyncset.done $0x0  }
0xa0: {  	[sflag:s22] =	ssyncadd.s32 s4;
	_ =	sdelay $0x1  }
0xa1: {  	s23 =	simm.s32 $0x1B8B  }
0xa2: {  	_ =	swait.ge [sflag:s23], $0x1  }
0xa3: {  	[sflag:s23] =	ssyncset.done $0x0  }
0xa4: {  	s25 =	simm.s32 $0x1B8E;
	s24 =	sld [smem:$0x3FFE];
	[sflag:s23] =	ssyncadd.s32 $0xFFFFFFFF  }
0xa5: {  	s26 =	simm.s32 $execute0_lowered;
	[smem:$0x3FD2] =	sst s25  }
0xa6: {  	s5 =	sshll.u32 s26, $0x1;
	_ =	strace $0x80000049;
	[dreg:$0x1] =	wrdreg $0xFFFFFFFF  }
0xa7: {  	s28 =	simm.s32 $_size_execute0_lowered;
	s3 =	sadd.s32 s3, s5;
	[dreg:$0x0] =	wrdreg $0x0  }
0xa8: {  	s5 =	sshll.u32 s28, $0x1;
	[dreg:$0x2] =	wrdreg s3  }
0xa9: {  	[dreg:$0x3] =	wrdreg s5  }
0xaa: {  	[dreg:$0x4] =	wrdreg $0xC0  }
0xab: {  	_ =	task [dreg:s7], $0x5FFFF  }
0xac: {  	[dreg:$0x1] =	wrdreg $0xFFFFFFFF  }
0xad: {  	[dreg:$0x0] =	wrdreg $0x60  }
0xae: {  	[dreg:$0x2] =	wrdreg s24  }
0xaf: {  	[dreg:$0x3] =	wrdreg s2  }
0xb0: {  	[dreg:$0x4] =	wrdreg $0x0  }
0xb1: {  	[dreg:$0x5] =	wrdreg $0x9  }
0xb2: {  	_ =	task.clear_ibuf [dreg:s7], $0x6FFFF;
	_ =	strace $0x90000049  }
0xb3: {  	s29 =	simm.s32 $0x9;
	_ =	strace $0x8000004B  }
0xb4: {  	_ =	swait.ge [sflag:s29], $0x1  }
0xb5: {  	[sflag:s29] =	ssyncadd.s32 $0xFFFFFFFF  }
0xb6: {  	_ =	strace $0x9000004B  }
0xb7: {  	_ =	sfence  }
0xb8: {  	s30 =	sld [smem:$0x0];
	_ =	sdelay $0x2  }
0xb9: {  	s31 =	sshll.u32 s1, $0xD;
	s1 =	sshrl.u32 s1, $0x2  }
0xba: {  	s3 =	sand.u32 $0x4000, s31;
	s1 =	sadd.s32 s1, s30  }
0xbb: {  	s0 =	sor.u32 s3, s0;
	s1 =	sshll.u32 s1, $0x11  }
0xbc: {  	s0 =	sor.u32 s1, s0  }
0xbd: {  	s0 =	sadd.s32 $0x8F2B, s0  }
0xbe: {  	[sflag:s0] =	ssyncadd.remote.s32 $0x1  }
0xbf: {  	_ =	sfence.sel $0xFFFF  }
0xc0: {  	[dreg:$0x0] =	wrdreg $0xFFFFFFFF;
	(pc) =	sbr.abs _section_cstart, $3  }
0xc1: {  	[dreg:$0x1] =	wrdreg $0xFFFFFFFF  }
0xc2: {  	_ =	task.clear_ibuf [dreg:s7], $0x2FFFF;
	_ =	strace $0x9FFFFFFF  }
0xc3: {  	(tm) =	ssettm $0x7FFFFFFF  }
tec
execute0_lowered:
.L_overlay_start_1:
0x0: {  	(tag) =	ssettag $0x1  }
0x1: {  	s0 =	rddreg [dreg:$0x0]  }
0x2: {  	s2 =	rddreg [dreg:$0x1]  }
0x3: {  	s1 =	rddreg [dreg:$0x2]  }
0x4: {  	s3 =	srdreg.scid;
	s11 =	stileid.u32;
	s21 =	simm.s32 $0x18000  }
0x5: {  	s22 =	simm.s32 $0x18080;
	s28 =	simm.s32 $0x50;
	s29 =	simm.s32 $0x2  }
0x6: {  	s30 =	simm.s32 $0x1A900;
	s31 =	simm.s32 $0x3;
	s6 =	smul.u32 $0x14000, s11  }
0x7: {  	s7 =	sand.u32 $0x1, s3;
	s9 =	sshll.u32 s11, $0xE;
	s11 =	smul.u32 $0x50000, s11  }
0x8: {  	s3 =	simm.s32 $0x0;
	s4 =	sadd.s32 $0x1C400, s0;
	s5 =	smul.u32 $0x140000, s7  }
0x9: {  	[smem:$0x7FF] =	sst s3;
	s8 =	sshll.u32 s7, $0x12;
	s23 =	ssub.s32 $0x2, s7  }
0xa: {  	_ =	strace $0x8000004A;
	s24 =	sshrl.u32 s23, $0x1;
	s11 =	sshrl.u32 s11, $0x2  }
0xb: {  	s6 =	sadd.s32 s6, s5;
	s5 =	sadd.s32 $0xC400, s0;
	s11 =	sadd.s32 s11, s1  }
0xc: {  	s10 =	sshrl.u32 s6, $0x3;
	s6 =	sor.u32 s9, s8;
	s8 =	ssub.s32 s23, s24  }
0xd: {  	s13 =	sadd.s32 $0x2800, s11;
	s14 =	sadd.s32 $0x5000, s11;
	s15 =	sadd.s32 $0x7800, s11  }
0xe: {  	s16 =	sadd.s32 $0xA000, s11;
	s17 =	sadd.s32 $0xC800, s11;
	s18 =	sadd.s32 $0xF000, s11  }
0xf: {  	s19 =	sadd.s32 $0x11800, s11;
	s24 =	simm.s32 $0x5;
	s23 =	simm.s32 $0x0  }
0x10: {  	s9 =	sshrl.u32 s6, $0x3;
	s0 =	sadd.s32 s10, s0;
	s26 =	smax.u32 s8, $0x1  }
0x11: {  	s7 =	sadd.s32 s5, s9;
	s2 =	sadd.s32 s2, s9;
	[dreg:$0x7] =	wrdreg s26  }
0x12: {  	s0 =	sadd.s32 $0x43600, s0;
	s26 =	simm.s32 $0x1;
	[dreg:$0x5] =	wrdreg s2  }
0x13: {  	s25 =	sadd.s32 $0x10, s7;
	[dreg:$0x6] =	wrdreg s0;
	s20 =	sadd.s32 $0x7C0, s7  }
0x14: {  	v0 =	vimm.f32 $0.0e+00;
	s0 =	simm.s32 $0x4;
	[dreg:$0x4] =	wrdreg s25;
	s25 =	simm.s32 $0x18100  }
.LBB2_1:
0x15: {  	[tilespmem:s21], [sflag:$0x1] =	stream.linear.gather [hbm4b:s7+s3], $0x80, $0x38;
	[tilespmem:$0x1D100] =	vst v63  }
0x16: {  	s2 =	rddreg [dreg:$0x4]  }
0x17: {  	[tilespmem:s22], [sflag:$0x2] =	stream.linear.gather [hbm4b:s2+s3], $0x80, $0x38;
	[tilespmem:$0x1D100] =	vst v63  }
0x18: {  	s12 =	rddreg [dreg:$0x5];
	s8 =	simm.s32 $0x14000  }
0x19: {  	[tilespmem:s8], [sflag:$0x5] =	stream.linear.gather [hbm4b:s12+s3], $0x3E80, $0x38;
	[tilespmem:$0x1D100] =	vst v63  }
0x1a: {  	_ =	swait.ge [sflag:s24], $0x3E80  }
0x1b: {  	[sflag:s24] =	ssyncset.done $0x0  }
0x1c: {  	s2 =	simm.s32 $0x70;
	s8 =	simm.s32 $0x3C0;
	[sflag:s24] =	ssyncadd.s32 $0xFFFFC180  }
.LBB2_2:
0x1d: {  	p0 =	sne.s32 s8, $0x9FC0;
	[tilespmem:s2+$0x18100] =	vst v0  }
0x1e: {  	[tilespmem:s2+$0x18090] =	vst v0  }
0x1f: {  	[tilespmem:s2+$0x180A0] =	vst v0  }
.Ltmp0:
0x20: {  	[tilespmem:s2+$0x180B0] =	vst v0;
	(pc) =	sbr.rel @p0 .LBB2_2-.Ltmp0, $4  }
0x21: {  	[tilespmem:s2+$0x180C0] =	vst v0  }
0x22: {  	[tilespmem:s2+$0x180D0] =	vst v0  }
0x23: {  	[tilespmem:s2+$0x180E0] =	vst v0  }
0x24: {  	[tilespmem:s2+$0x180F0] =	vst v0;
	s2 =	sshra.s32 s8, $0x2;
	s8 =	sadd.s32 $0x200, s8  }
0x25: {  	[tilespmem:s2+$0x18100] =	vst v0  }
0x26: {  	[tilespmem:s2+$0x18090] =	vst v0  }
0x27: {  	[tilespmem:s2+$0x180A0] =	vst v0  }
0x28: {  	[tilespmem:s2+$0x180B0] =	vst v0  }
0x29: {  	[tilespmem:s2+$0x180C0] =	vst v0  }
0x2a: {  	[tilespmem:s2+$0x180D0] =	vst v0  }
0x2b: {  	[tilespmem:s2+$0x180E0] =	vst v0  }
0x2c: {  	[tilespmem:s2+$0x180F0] =	vst v0  }
0x2d: {  	[spmem:s11] =	stream.linear.scatter [tilespmem:s25], [sflag:$0x5], $0x2800, $0x38;
	[tilespmem:$0x1D100] =	vst v63  }
0x2e: {  	_ =	swait.ge [sflag:s24], $0x2800  }
0x2f: {  	[sflag:s24] =	ssyncset.done $0x0  }
0x30: {  	[sflag:s24] =	ssyncadd.s32 $0xFFFFD800  }
0x31: {  	[spmem:s13] =	stream.linear.scatter [tilespmem:s25], [sflag:$0x5], $0x2800, $0x38;
	[tilespmem:$0x1D100] =	vst v63  }
0x32: {  	_ =	swait.ge [sflag:s24], $0x2800  }
0x33: {  	[sflag:s24] =	ssyncset.done $0x0  }
0x34: {  	[sflag:s24] =	ssyncadd.s32 $0xFFFFD800  }
0x35: {  	[spmem:s14] =	stream.linear.scatter [tilespmem:s25], [sflag:$0x5], $0x2800, $0x38;
	[tilespmem:$0x1D100] =	vst v63  }
0x36: {  	_ =	swait.ge [sflag:s24], $0x2800  }
0x37: {  	[sflag:s24] =	ssyncset.done $0x0  }
0x38: {  	[sflag:s24] =	ssyncadd.s32 $0xFFFFD800  }
0x39: {  	[spmem:s15] =	stream.linear.scatter [tilespmem:s25], [sflag:$0x5], $0x2800, $0x38;
	[tilespmem:$0x1D100] =	vst v63  }
0x3a: {  	_ =	swait.ge [sflag:s24], $0x2800  }
0x3b: {  	[sflag:s24] =	ssyncset.done $0x0  }
0x3c: {  	[sflag:s24] =	ssyncadd.s32 $0xFFFFD800  }
0x3d: {  	[spmem:s16] =	stream.linear.scatter [tilespmem:s25], [sflag:$0x5], $0x2800, $0x38;
	[tilespmem:$0x1D100] =	vst v63  }
0x3e: {  	_ =	swait.ge [sflag:s24], $0x2800  }
0x3f: {  	[sflag:s24] =	ssyncset.done $0x0  }
0x40: {  	[sflag:s24] =	ssyncadd.s32 $0xFFFFD800  }
0x41: {  	[spmem:s17] =	stream.linear.scatter [tilespmem:s25], [sflag:$0x5], $0x2800, $0x38;
	[tilespmem:$0x1D100] =	vst v63  }
0x42: {  	_ =	swait.ge [sflag:s24], $0x2800  }
0x43: {  	[sflag:s24] =	ssyncset.done $0x0  }
0x44: {  	[sflag:s24] =	ssyncadd.s32 $0xFFFFD800  }
0x45: {  	[spmem:s18] =	stream.linear.scatter [tilespmem:s25], [sflag:$0x5], $0x2800, $0x38;
	[tilespmem:$0x1D100] =	vst v63  }
0x46: {  	_ =	swait.ge [sflag:s24], $0x2800  }
0x47: {  	[sflag:s24] =	ssyncset.done $0x0  }
0x48: {  	[sflag:s24] =	ssyncadd.s32 $0xFFFFD800  }
0x49: {  	[spmem:s19] =	stream.linear.scatter [tilespmem:s25], [sflag:$0x5], $0x2800, $0x38;
	[tilespmem:$0x1D100] =	vst v63  }
0x4a: {  	_ =	swait.ge [sflag:s24], $0x2800  }
0x4b: {  	[sflag:s24] =	ssyncset.done $0x0  }
0x4c: {  	[sflag:s24] =	ssyncadd.s32 $0xFFFFD800  }
0x4d: {  	[bflag:$0x0] =	sbarrier.arrive $0xFFFF  }
0x4e: {  	_ =	swait.ge [sflag:s26], $0x80  }
0x4f: {  	[sflag:s26] =	ssyncset.done $0x0  }
0x50: {  	[sflag:s26] =	ssyncadd.s32 $0xFFFFFF80  }
0x51: {  	[tilespmem:s25], [sflag:$0x3] =	stream.indirect.gather [hbm4b:s4+s28], $0x80, s21, s28, $0xb8;
	[tilespmem:$0x1D100] =	vst v63  }
0x52: {  	s12 =	simm.s32 $0x100;
	_ =	swait.ge [sflag:s29], $0x80  }
0x53: {  	s8 =	sand.u32 $0x7C00, s12;
	[sflag:s29] =	ssyncset.done $0x0  }
0x54: {  	s2 =	sand.u32 $0x300, s12;
	s8 =	sadd.s32 s6, s8;
	[sflag:s29] =	ssyncadd.s32 $0xFFFFFF80  }
0x55: {  	[tilespmem:s30], [sflag:$0x4] =	stream.indirect.gather [hbm4b:s4+s28], $0x80, s22, s28, $0xb8;
	[tilespmem:$0x1D100] =	vst v63  }
0x56: {  	s2 =	sor.u32 s2, s8;
	_ =	swait.ge [sflag:s31], $0x2800  }
0x57: {  	s2 =	sshrl.u32 s2, $0x3;
	[sflag:s31] =	ssyncset.done $0x0  }
0x58: {  	s2 =	sadd.s32 s5, s2;
	[sflag:s31] =	ssyncadd.s32 $0xFFFFD800  }
0x59: {  	[tilespmem:s21], [sflag:$0x1] =	stream.linear.gather [hbm4b:s2+s3], $0x80, $0x38;
	[tilespmem:$0x1D100] =	vst v63  }
0x5a: {  	s9 =	simm.s32 $0x14000  }
0x5b: {  	[spmem:s1] =	stream.indirect.scatter.add.f32 [tilespmem:s25], [sflag:$0x5], $0x80, s9, s28, $0xb8;
	[tilespmem:$0x1D100] =	vst v63  }
0x5c: {  	_ =	swait.ge [sflag:s24], $0x2800  }
0x5d: {  	[sflag:s24] =	ssyncset.done $0x0  }
0x5e: {  	[sflag:s24] =	ssyncadd.s32 $0xFFFFD800  }
0x5f: {  	s10 =	simm.s32 $0x180;
	_ =	swait.ge [sflag:s26], $0x80  }
0x60: {  	s12 =	sand.u32 $0x7C00, s10;
	[sflag:s26] =	ssyncset.done $0x0  }
0x61: {  	s8 =	sadd.s32 s6, s12;
	s2 =	sand.u32 $0x380, s10;
	[sflag:s26] =	ssyncadd.s32 $0xFFFFFF80  }
0x62: {  	[tilespmem:s25], [sflag:$0x3] =	stream.indirect.gather [hbm4b:s4+s28], $0x80, s21, s28, $0xb8;
	[tilespmem:$0x1D100] =	vst v63  }
0x63: {  	s2 =	sor.u32 s2, s8;
	_ =	swait.ge [sflag:s0], $0x2800  }
0x64: {  	s2 =	sshrl.u32 s2, $0x3;
	[sflag:s0] =	ssyncset.done $0x0  }
0x65: {  	s2 =	sadd.s32 s5, s2;
	[sflag:s0] =	ssyncadd.s32 $0xFFFFD800  }
0x66: {  	[tilespmem:s22], [sflag:$0x2] =	stream.linear.gather [hbm4b:s2+s3], $0x80, $0x38;
	[tilespmem:$0x1D100] =	vst v63  }
0x67: {  	s2 =	simm.s32 $0x14080  }
0x68: {  	[spmem:s1] =	stream.indirect.scatter.add.f32 [tilespmem:s30], [sflag:$0x5], $0x80, s2, s28, $0xb8;
	[tilespmem:$0x1D100] =	vst v63  }
0x69: {  	s8 =	simm.s32 $0x280;
	_ =	swait.ge [sflag:s24], $0x2800  }
.LBB2_4:
0x6a: {  	p0 =	sne.s32 s8, $0x3D80;
	[sflag:s24] =	ssyncset.done $0x0;
	s2 =	sadd.s32 $0x100, s2  }
0x6b: {  	s9 =	smov.u32 s8;
	s8 =	sadd.s32 $0x100, s8;
	[sflag:s24] =	ssyncadd.s32 $0xFFFFD800  }
0x6c: {  	_ =	swait.ge [sflag:s29], $0x80  }
0x6d: {  	s10 =	sadd.s32 $0xFFFFFF80, s9;
	[sflag:s29] =	ssyncset.done $0x0  }
0x6e: {  	s12 =	sand.u32 $0x7C00, s10;
	s10 =	sand.u32 $0x300, s10;
	[sflag:s29] =	ssyncadd.s32 $0xFFFFFF80  }
0x6f: {  	[tilespmem:s30], [sflag:$0x4] =	stream.indirect.gather [hbm4b:s4+s28], $0x80, s22, s28, $0xb8;
	[tilespmem:$0x1D100] =	vst v63  }
0x70: {  	s12 =	sadd.s32 s6, s12;
	_ =	swait.ge [sflag:s31], $0x2800  }
0x71: {  	s10 =	sor.u32 s10, s12;
	[sflag:s31] =	ssyncset.done $0x0  }
0x72: {  	s10 =	sshrl.u32 s10, $0x3;
	[sflag:s31] =	ssyncadd.s32 $0xFFFFD800  }
0x73: {  	s12 =	sadd.s32 $0xFFFFFF80, s2;
	s10 =	sadd.s32 s5, s10  }
0x74: {  	[tilespmem:s21], [sflag:$0x1] =	stream.linear.gather [hbm4b:s10+s3], $0x80, $0x38;
	[tilespmem:$0x1D100] =	vst v63  }
0x75: {  	_ = 	snop  }
0x76: {  	[spmem:s1] =	stream.indirect.scatter.add.f32 [tilespmem:s25], [sflag:$0x5], $0x80, s12, s28, $0xb8;
	[tilespmem:$0x1D100] =	vst v63  }
0x77: {  	_ =	swait.ge [sflag:s24], $0x2800  }
0x78: {  	[sflag:s24] =	ssyncset.done $0x0  }
0x79: {  	[sflag:s24] =	ssyncadd.s32 $0xFFFFD800  }
0x7a: {  	_ =	swait.ge [sflag:s26], $0x80  }
0x7b: {  	s10 =	sand.u32 $0x7C00, s9;
	[sflag:s26] =	ssyncset.done $0x0  }
0x7c: {  	s9 =	sand.u32 $0x380, s9;
	s10 =	sadd.s32 s6, s10;
	[sflag:s26] =	ssyncadd.s32 $0xFFFFFF80  }
0x7d: {  	[tilespmem:s25], [sflag:$0x3] =	stream.indirect.gather [hbm4b:s4+s28], $0x80, s21, s28, $0xb8;
	[tilespmem:$0x1D100] =	vst v63  }
0x7e: {  	s9 =	sor.u32 s9, s10;
	_ =	swait.ge [sflag:s0], $0x2800  }
0x7f: {  	s9 =	sshrl.u32 s9, $0x3;
	[sflag:s0] =	ssyncset.done $0x0  }
.Ltmp1:
0x80: {  	s9 =	sadd.s32 s5, s9;
	[sflag:s0] =	ssyncadd.s32 $0xFFFFD800;
	(pc) =	sbr.rel @p0 .LBB2_4-.Ltmp1, $4  }
0x81: {  	[tilespmem:s22], [sflag:$0x2] =	stream.linear.gather [hbm4b:s9+s3], $0x80, $0x38;
	[tilespmem:$0x1D100] =	vst v63  }
0x82: {  	_ = 	snop  }
0x83: {  	[spmem:s1] =	stream.indirect.scatter.add.f32 [tilespmem:s30], [sflag:$0x5], $0x80, s2, s28, $0xb8;
	[tilespmem:$0x1D100] =	vst v63  }
0x84: {  	_ =	swait.ge [sflag:s24], $0x2800  }
0x85: {  	[sflag:s24] =	ssyncset.done $0x0  }
0x86: {  	[sflag:s24] =	ssyncadd.s32 $0xFFFFD800  }
0x87: {  	_ =	swait.ge [sflag:s29], $0x80  }
0x88: {  	[sflag:s29] =	ssyncset.done $0x0  }
0x89: {  	[sflag:s29] =	ssyncadd.s32 $0xFFFFFF80  }
0x8a: {  	[tilespmem:s30], [sflag:$0x4] =	stream.indirect.gather [hbm4b:s4+s28], $0x80, s22, s28, $0xb8;
	[tilespmem:$0x1D100] =	vst v63  }
0x8b: {  	_ =	swait.ge [sflag:s31], $0x2800  }
0x8c: {  	[sflag:s31] =	ssyncset.done $0x0  }
0x8d: {  	[sflag:s31] =	ssyncadd.s32 $0xFFFFD800  }
0x8e: {  	[tilespmem:s21], [sflag:$0x1] =	stream.linear.gather [hbm4b:s20+s3], $0x80, $0x38;
	[tilespmem:$0x1D100] =	vst v63  }
0x8f: {  	s2 =	simm.s32 $0x17D00  }
0x90: {  	[spmem:s1] =	stream.indirect.scatter.add.f32 [tilespmem:s25], [sflag:$0x5], $0x80, s2, s28, $0xb8;
	[tilespmem:$0x1D100] =	vst v63  }
0x91: {  	_ =	swait.ge [sflag:s24], $0x2800  }
0x92: {  	[sflag:s24] =	ssyncset.done $0x0  }
0x93: {  	[sflag:s24] =	ssyncadd.s32 $0xFFFFD800  }
0x94: {  	_ =	swait.ge [sflag:s26], $0x80  }
0x95: {  	[sflag:s26] =	ssyncset.done $0x0  }
0x96: {  	[sflag:s26] =	ssyncadd.s32 $0xFFFFFF80  }
0x97: {  	[tilespmem:s25], [sflag:$0x3] =	stream.indirect.gather [hbm4b:s4+s28], $0x80, s21, s28, $0xb8;
	[tilespmem:$0x1D100] =	vst v63  }
0x98: {  	_ =	swait.ge [sflag:s0], $0x2800  }
0x99: {  	[sflag:s0] =	ssyncset.done $0x0  }
0x9a: {  	s8 =	simm.s32 $0x17D80;
	[sflag:s0] =	ssyncadd.s32 $0xFFFFD800  }
0x9b: {  	[spmem:s1] =	stream.indirect.scatter.add.f32 [tilespmem:s30], [sflag:$0x5], $0x80, s8, s28, $0xb8;
	[tilespmem:$0x1D100] =	vst v63  }
0x9c: {  	_ =	swait.ge [sflag:s24], $0x2800  }
0x9d: {  	[sflag:s24] =	ssyncset.done $0x0  }
0x9e: {  	[sflag:s24] =	ssyncadd.s32 $0xFFFFD800  }
0x9f: {  	_ =	swait.ge [sflag:s31], $0x2800  }
0xa0: {  	[sflag:s31] =	ssyncset.done $0x0  }
0xa1: {  	s9 =	simm.s32 $0x17E00;
	[sflag:s31] =	ssyncadd.s32 $0xFFFFD800  }
0xa2: {  	[spmem:s1] =	stream.indirect.scatter.add.f32 [tilespmem:s25], [sflag:$0x5], $0x80, s9, s28, $0xb8;
	[tilespmem:$0x1D100] =	vst v63  }
0xa3: {  	_ =	swait.ge [sflag:s24], $0x2800  }
0xa4: {  	[sflag:s24] =	ssyncset.done $0x0  }
0xa5: {  	s10 =	stileid.u32;
	[sflag:s24] =	ssyncadd.s32 $0xFFFFD800  }
0xa6: {  	s2 =	sshll.u32 s10, $0x6;
	[bflag:$0x0] =	sbarrier.arrive $0xFFFF  }
0xa7: {  	s2 =	sor.u32 $0x1C05, s2;
	s8 =	sshrl.u32 s11, $0x3;
	s9 =	rddreg [dreg:$0x6]  }
0xa8: {  	[hbm:s9], [sflag:s2] =	dma.local [spmem:s8], $0x2800  }
0xa9: {  	_ =	swait.ge [sflag:s24], $0x2800  }
0xaa: {  	s23 =	sadd.s32 $0x1, s23;
	s12 =	rddreg [dreg:$0x7]  }
0xab: {  	p0 =	sne.s32 s23, s12  }
.Ltmp2:
0xac: {  	_ = 	snop;
	(pc) =	sbr.rel @p0 .LBB2_1-.Ltmp2, $3  }
0xad: {  	_ =	sdelay $0x1  }
0xae: {  	[sflag:s24] =	ssyncset.done $0x0  }
0xaf: {  	[sflag:s24] =	ssyncadd.s32 $0xFFFFD800  }
0xb0: {  	_ =	sfence.sel $0x180000  }
0xb1: {  	[bflag:$0x0] =	sbarrier.arrive $0xFFFF  }
0xb2: {  	_ =	strace $0x9000004A  }
0xb3: {  	s0 =	stileid.u32;
	[bflag:$0x2] =	sbarrier.arrive $0xFFFF  }
0xb4: {  	p0 =	sne.s32 s0, $0x0;
	s0 =	rddreg [dreg:$0x3]  }
0xb5: {  	s0 =	sadd.s32 @!p0 $0x100000, s0  }
0xb6: {  	[sflag:s0] =	ssyncadd.tile.s32 @!p0 $0x1;
	_ =	shalt  }
.Lfunc_end2:
_tile_overlayer_lowered:
.L_overlay_start_2:
0xb7: {  	(tag) =	ssettag $0x2  }
0xb8: {  	s0 =	rddreg [dreg:$0x0];
	s2 =	stileid.u32  }
0xb9: {  	s1 =	rddreg [dreg:$0x1];
	p0 =	sne.s32 s2, $0x0  }
0xba: {  	s3 =	rddreg [dreg:$0x2];
	[bflag:$0x3] =	sbarrier.arrive $0xFFFF;
	s2 =	simm.s32 @!p0 $0x1C05  }
0xbb: {  	[timem:s3], [sflag:s2] =	dma.local @!p0 [hbm:s0], s1  }
0xbc: {  	s0 =	simm.s32 @!p0 $0x5  }
0xbd: {  	_ =	swait.ge @!p0 [sflag:s0], s1  }
0xbe: {  	s1 =	ssub.s32 @!p0 $0x0, s1;
	[sflag:s0] =	ssyncset.done @!p0 $0x0  }
0xbf: {  	[sflag:s0] =	ssyncadd.s32 @!p0 s1  }
0xc0: {  	[bflag:$0x3] =	sbarrier.arrive $0xFFFF  }
0xc1: {  	_ =	shalt  }

// kernel: kernel.14.cloned.1.call-start
scs
__scs_entry_jumppad:
0x0: {  	(pc) =	sbr.rel $0x88, $3  }
0x1: {  	(tag) =	ssettag $0x0;
	lr =	simm.s32 $0x1  }
0x2: {  	[smem:$0x3F9B] =	sst lr;
	_ =	strace $0xD0000000  }
0x3: {  	_ = 	snop  }
0x4: {  	_ = 	snop  }
0x5: {  	_ = 	snop  }
0x6: {  	_ = 	snop  }
0x7: {  	_ = 	snop  }
__scs_overlays_trampoline_lowered:
0x8: {  	[smem:$0x3FAA] =	sst s0  }
0x9: {  	[smem:$0x3FAB] =	sst s1  }
0xa: {  	[smem:$0x3FAC] =	sst s2  }
0xb: {  	[smem:$0x3FAD] =	sst s3  }
0xc: {  	[smem:$0x3FAE] =	sst s4  }
0xd: {  	[smem:$0x3FAF] =	sst s5  }
0xe: {  	[smem:$0x3FB0] =	sst s6  }
0xf: {  	[smem:$0x3FB1] =	sst s7  }
0x10: {  	[smem:$0x3FB2] =	sst s8  }
0x11: {  	[smem:$0x3FB3] =	sst s9;
	s0 =	simm.s32 @!p0 $0x0  }
0x12: {  	s1 =	sld [smem:$0x3F99];
	s0 =	simm.s32 @p0 $0x1  }
0x13: {  	[smem:$0x3FB4] =	sst s0;
	s0 =	simm.s32 @!p1 $0x0  }
0x14: {  	s2 =	sld [smem:$0x3F98];
	s0 =	simm.s32 @p1 $0x1  }
0x15: {  	[smem:$0x3FB5] =	sst s0;
	s0 =	simm.s32 @!p2 $0x0  }
0x16: {  	s3 =	sld [smem:$0x3FDB];
	s0 =	simm.s32 @p2 $0x1  }
0x17: {  	s4 =	simm.s32 $0x1BF5;
	[smem:$0x3FB7] =	sst s0  }
0x18: {  	s0 =	sld [smem:$0x3F9A];
	_ =	swait.ge [sflag:s4], $0x0  }
0x19: {  	s7 =	sld [smem:$0x3F9B]  }
0x1a: {  	s8 =	sadd.s32 $0xFFFFE003, lr  }
0x1b: {  	s9 =	sadd.s32 $0xFFFFFEF7, lr;
	s5 =	simm.s32 $0xFFFFFFFF;
	p2 =	slt.u32 s8, $0xFFFFF086  }
0x1c: {  	p1 =	slt.u32 s9, $0xF7A;
	s5 =	simm.s32 @!p2 $0x0  }
0x1d: {  	s5 =	simm.s32 @p1 $0x1;
	p0 =	seq.s32 s7, s2  }
0x1e: {  	s7 =	smul.u32 @!p0 $0xF7A, s2;
	p2 =	seq.s32 @!p0 s5, $0x0  }
0x1f: {  	s9 =	smul.u32 $0xF7A, s1;
	s8 =	simm.s32 @!p0 $0x1BF5;
	p2 =	por !p2, p0  }
0x20: {  	[sflag:s8] =	ssyncset.s32 @!p0 $0xFFFFF086;
	s6 =	sadd.s32 @!p0 s3, s7;
	s7 =	simm.s32 @!p0 $0x108  }
0x21: {  	s3 =	sadd.s32 s3, s9;
	s6 =	sadd.s32 @!p0 $0x88, s6;
	s7 =	simm.s32 @p2 $0x1082  }
0x22: {  	[simem:s7], [sflag:s8] =	dma.local @!p0 [hbm:s6], $0xF7A  }
0x23: {  	s9 =	sor.u32 $0xD0000000, s2;
	s6 =	simm.s32 $0x108;
	_ =	swait.ge @!p0 [sflag:s8], $0x0  }
0x24: {  	s3 =	sadd.s32 $0x88, s3;
	s6 =	simm.s32 @!p1 $0x1082;
	[sflag:s4] =	ssyncset.s32 $0xFFFFF086  }
0x25: {  	[simem:s6], [sflag:s4] =	dma.local [hbm:s3], $0xF7A  }
0x26: {  	[smem:$0x3F9B] =	sst s1;
	(tag) =	ssettag s2;
	_ =	strace s9  }
0x27: {  	s1 =	sld [smem:$0x3FAB]  }
0x28: {  	s2 =	sld [smem:$0x3FAC]  }
0x29: {  	s4 =	sld [smem:$0x3FAE]  }
0x2a: {  	p0 =	seq.s32 s5, $0x0;
	s5 =	sld [smem:$0x3FAF]  }
0x2b: {  	s6 =	sld [smem:$0x3FB0]  }
0x2c: {  	s7 =	sld [smem:$0x3FB1]  }
0x2d: {  	s3 =	simm.s32 $0x108;
	s8 =	sld [smem:$0x3FB2]  }
0x2e: {  	s3 =	simm.s32 @!p0 $0x1082;
	s9 =	sld [smem:$0x3FB3]  }
0x2f: {  	lr =	sadd.s32 s0, s3;
	s0 =	sld [smem:$0x3FAA]  }
0x30: {  	s3 =	sld [smem:$0x3FAD]  }
0x31: {  	[smem:$0x3FB6] =	sst s10  }
0x32: {  	s10 =	sld [smem:$0x3FB4];
	_ =	sdelay $0x3  }
0x33: {  	p0 =	seq.s32 s10, $0x1;
	s10 =	sld [smem:$0x3FB6];
	_ =	sdelay $0x3  }
0x34: {  	[smem:$0x3FB6] =	sst s10  }
0x35: {  	s10 =	sld [smem:$0x3FB5];
	_ =	sdelay $0x3  }
0x36: {  	p1 =	seq.s32 s10, $0x1;
	s10 =	sld [smem:$0x3FB6];
	_ =	sdelay $0x3  }
0x37: {  	[smem:$0x3FB6] =	sst s10  }
0x38: {  	s10 =	sld [smem:$0x3FB7]  }
0x39: {  	_ = 	snop;
	(pc) =	sbr.ind lr, $3  }
0x3a: {  	_ = 	snop  }
0x3b: {  	_ = 	snop  }
0x3c: {  	p2 =	seq.s32 s10, $0x1;
	s10 =	sld [smem:$0x3FB6]  }
0x3d: {  	_ =	shalt  }
0x3e: {  	_ =	shalt  }
0x3f: {  	_ =	shalt  }
0x40: {  	_ =	shalt  }
0x41: {  	_ =	shalt  }
0x42: {  	_ =	shalt  }
0x43: {  	_ =	shalt  }
0x44: {  	_ =	shalt  }
0x45: {  	_ =	shalt  }
0x46: {  	_ =	shalt  }
0x47: {  	_ =	shalt  }
0x48: {  	_ =	shalt  }
0x49: {  	_ =	shalt  }
0x4a: {  	_ =	shalt  }
0x4b: {  	_ =	shalt  }
0x4c: {  	_ =	shalt  }
0x4d: {  	_ =	shalt  }
0x4e: {  	_ =	shalt  }
0x4f: {  	_ =	shalt  }
0x50: {  	_ =	shalt  }
0x51: {  	_ =	shalt  }
0x52: {  	_ =	shalt  }
0x53: {  	_ =	shalt  }
0x54: {  	_ =	shalt  }
0x55: {  	_ =	shalt  }
0x56: {  	_ =	shalt  }
0x57: {  	_ =	shalt  }
0x58: {  	_ =	shalt  }
0x59: {  	_ =	shalt  }
0x5a: {  	_ =	shalt  }
0x5b: {  	_ =	shalt  }
0x5c: {  	_ =	shalt  }
0x5d: {  	_ =	shalt  }
0x5e: {  	_ =	shalt  }
0x5f: {  	_ =	shalt  }
0x60: {  	_ =	shalt  }
0x61: {  	_ =	shalt  }
0x62: {  	_ =	shalt  }
0x63: {  	_ =	shalt  }
0x64: {  	_ =	shalt  }
0x65: {  	_ =	shalt  }
0x66: {  	_ =	shalt  }
0x67: {  	_ =	shalt  }
0x68: {  	_ =	shalt  }
0x69: {  	_ =	shalt  }
0x6a: {  	_ =	shalt  }
0x6b: {  	_ =	shalt  }
0x6c: {  	_ =	shalt  }
0x6d: {  	_ =	shalt  }
0x6e: {  	_ =	shalt  }
0x6f: {  	_ =	shalt  }
0x70: {  	_ =	shalt  }
0x71: {  	_ =	shalt  }
0x72: {  	_ =	shalt  }
0x73: {  	_ =	shalt  }
0x74: {  	_ =	shalt  }
0x75: {  	_ =	shalt  }
0x76: {  	_ =	shalt  }
0x77: {  	_ =	shalt  }
0x78: {  	_ =	shalt  }
0x79: {  	_ =	shalt  }
0x7a: {  	_ =	shalt  }
0x7b: {  	_ =	shalt  }
0x7c: {  	_ =	shalt  }
0x7d: {  	_ =	shalt  }
0x7e: {  	_ =	shalt  }
0x7f: {  	_ =	shalt  }
0x80: {  	_ =	shalt  }
0x81: {  	_ =	shalt  }
0x82: {  	_ =	shalt  }
0x83: {  	_ =	shalt  }
0x84: {  	_ =	shalt  }
0x85: {  	_ =	shalt  }
0x86: {  	_ =	shalt  }
0x87: {  	_ =	shalt  }
.Lfunc_end0:
.L_simem_size_0:
called_computation.2_lowered:
.L_overlay_start_0:
0x88: {  	s2 =	sld [smem:$0x3FD9]  }
0x89: {  	s3 =	sld [smem:$0x3FFE];
	_ =	sdelay $0x1  }
0x8a: {  	s1 =	srdreg.scid  }
0x8b: {  	s0 =	sand.u32 $0x1, s1  }
0x8c: {  	s17 =	sshll.u32 s0, $0xA;
	s2 =	sadd.s32 s3, s2  }
0x8d: {  	s2 =	sadd.s32 s2, s17  }
0x8e: {  	[smem:$0x3FC2] =	sst s2  }
0x8f: {  	_ = 	snop  }
0x90: {  	s2 =	sld [smem:$0x3FD0];
	(tm) =	ssettm $0x1  }
0x91: {  	s18 =	sld [smem:$0x3FFB];
	_ =	sdelay $0x3  }
0x92: {  	_ =	strace s18  }
0x93: {  	s3 =	sld [smem:$0x3FFC];
	_ =	sdelay $0x3  }
0x94: {  	_ =	strace s3  }
0x95: {  	s3 =	sld [smem:$0x3FFD];
	_ =	sdelay $0x3  }
0x96: {  	_ =	strace s3  }
0x97: {  	_ =	strace $0x8FFFFFFF  }
0x98: {  	s19 =	sld [smem:$0x3FDB];
	_ =	sdelay $0x1  }
0x99: {  	s4 =	simm.s32 $_scs_section_size  }
0x9a: {  	s5 =	simm.s32 $_size__tile_overlayer_lowered;
	s6 =	simm.s32 $_tile_overlayer_lowered  }
0x9b: {  	s22 =	simm.s32 $0x1BFF;
	s21 =	sshll.u32 s6, $0x1;
	s3 =	sadd.s32 s4, s19  }
0x9c: {  	s7 =	simm.s32 $0x0;
	s20 =	sshll.u32 s5, $0x1;
	s5 =	sadd.s32 s21, s3  }
0x9d: {  	[timem:s7], [sflag:s22] =	dma.local [hbm:s5], s20  }
0x9e: {  	_ =	swait.ge [sflag:s22], s20  }
0x9f: {  	s4 =	ssub.s32 $0x0, s20;
	[sflag:s22] =	ssyncset.done $0x0  }
0xa0: {  	[sflag:s22] =	ssyncadd.s32 s4;
	_ =	sdelay $0x1  }
0xa1: {  	s23 =	simm.s32 $0x1B8B  }
0xa2: {  	_ =	swait.ge [sflag:s23], $0x1  }
0xa3: {  	[sflag:s23] =	ssyncset.done $0x0  }
0xa4: {  	s25 =	simm.s32 $0x1B8E;
	s24 =	sld [smem:$0x3FFE];
	[sflag:s23] =	ssyncadd.s32 $0xFFFFFFFF  }
0xa5: {  	s26 =	simm.s32 $execute0_lowered;
	[smem:$0x3FD2] =	sst s25  }
0xa6: {  	s5 =	sshll.u32 s26, $0x1;
	_ =	strace $0x8000004C;
	[dreg:$0x1] =	wrdreg $0xFFFFFFFF  }
0xa7: {  	s28 =	simm.s32 $_size_execute0_lowered;
	s3 =	sadd.s32 s3, s5;
	[dreg:$0x0] =	wrdreg $0x0  }
0xa8: {  	s5 =	sshll.u32 s28, $0x1;
	[dreg:$0x2] =	wrdreg s3  }
0xa9: {  	[dreg:$0x3] =	wrdreg s5  }
0xaa: {  	[dreg:$0x4] =	wrdreg $0xC0  }
0xab: {  	_ =	task [dreg:s7], $0x5FFFF  }
0xac: {  	[dreg:$0x1] =	wrdreg $0xFFFFFFFF  }
0xad: {  	[dreg:$0x0] =	wrdreg $0x60  }
0xae: {  	[dreg:$0x2] =	wrdreg s24  }
0xaf: {  	[dreg:$0x3] =	wrdreg s2  }
0xb0: {  	[dreg:$0x4] =	wrdreg $0x0  }
0xb1: {  	[dreg:$0x5] =	wrdreg $0x9  }
0xb2: {  	_ =	task.clear_ibuf [dreg:s7], $0x6FFFF;
	_ =	strace $0x9000004C  }
0xb3: {  	s29 =	simm.s32 $0x9;
	_ =	strace $0x8000004E  }
0xb4: {  	_ =	swait.ge [sflag:s29], $0x1  }
0xb5: {  	[sflag:s29] =	ssyncadd.s32 $0xFFFFFFFF  }
0xb6: {  	_ =	strace $0x9000004E  }
0xb7: {  	_ =	sfence  }
0xb8: {  	s30 =	sld [smem:$0x0];
	_ =	sdelay $0x2  }
0xb9: {  	s31 =	sshll.u32 s1, $0xD;
	s1 =	sshrl.u32 s1, $0x2  }
0xba: {  	s3 =	sand.u32 $0x4000, s31;
	s1 =	sadd.s32 s1, s30  }
0xbb: {  	s0 =	sor.u32 s3, s0;
	s1 =	sshll.u32 s1, $0x11  }
0xbc: {  	s0 =	sor.u32 s1, s0  }
0xbd: {  	s0 =	sadd.s32 $0x8F2B, s0  }
0xbe: {  	[sflag:s0] =	ssyncadd.remote.s32 $0x1  }
0xbf: {  	_ =	sfence.sel $0xFFFF  }
0xc0: {  	[dreg:$0x0] =	wrdreg $0xFFFFFFFF;
	(pc) =	sbr.abs _section_cstart, $3  }
0xc1: {  	[dreg:$0x1] =	wrdreg $0xFFFFFFFF  }
0xc2: {  	_ =	task.clear_ibuf [dreg:s7], $0x2FFFF;
	_ =	strace $0x9FFFFFFF  }
0xc3: {  	(tm) =	ssettm $0x7FFFFFFF  }
tec
execute0_lowered:
.L_overlay_start_1:
0x0: {  	(tag) =	ssettag $0x1  }
0x1: {  	s0 =	rddreg [dreg:$0x0]  }
0x2: {  	s2 =	rddreg [dreg:$0x1]  }
0x3: {  	s1 =	rddreg [dreg:$0x2]  }
0x4: {  	s3 =	srdreg.scid;
	s11 =	stileid.u32;
	s21 =	simm.s32 $0x18000  }
0x5: {  	s22 =	simm.s32 $0x18080;
	s28 =	simm.s32 $0x50;
	s29 =	simm.s32 $0x2  }
0x6: {  	s30 =	simm.s32 $0x1A900;
	s31 =	simm.s32 $0x3;
	s6 =	smul.u32 $0x14000, s11  }
0x7: {  	s7 =	sand.u32 $0x1, s3;
	s9 =	sshll.u32 s11, $0xE;
	s11 =	smul.u32 $0x50000, s11  }
0x8: {  	s3 =	simm.s32 $0x0;
	s4 =	sadd.s32 $0x1C400, s0;
	s5 =	smul.u32 $0x140000, s7  }
0x9: {  	[smem:$0x7FF] =	sst s3;
	s8 =	sshll.u32 s7, $0x12;
	s23 =	ssub.s32 $0x2, s7  }
0xa: {  	_ =	strace $0x8000004D;
	s24 =	sshrl.u32 s23, $0x1;
	s11 =	sshrl.u32 s11, $0x2  }
0xb: {  	s6 =	sadd.s32 s6, s5;
	s5 =	sadd.s32 $0xC400, s0;
	s11 =	sadd.s32 s11, s1  }
0xc: {  	s10 =	sshrl.u32 s6, $0x3;
	s6 =	sor.u32 s9, s8;
	s8 =	ssub.s32 s23, s24  }
0xd: {  	s13 =	sadd.s32 $0x2800, s11;
	s14 =	sadd.s32 $0x5000, s11;
	s15 =	sadd.s32 $0x7800, s11  }
0xe: {  	s16 =	sadd.s32 $0xA000, s11;
	s17 =	sadd.s32 $0xC800, s11;
	s18 =	sadd.s32 $0xF000, s11  }
0xf: {  	s19 =	sadd.s32 $0x11800, s11;
	s24 =	simm.s32 $0x5;
	s23 =	simm.s32 $0x0  }
0x10: {  	s9 =	sshrl.u32 s6, $0x3;
	s0 =	sadd.s32 s10, s0;
	s26 =	smax.u32 s8, $0x1  }
0x11: {  	s7 =	sadd.s32 s5, s9;
	s2 =	sadd.s32 s2, s9;
	[dreg:$0x7] =	wrdreg s26  }
0x12: {  	s0 =	sadd.s32 $0x43600, s0;
	s26 =	simm.s32 $0x1;
	[dreg:$0x5] =	wrdreg s2  }
0x13: {  	s25 =	sadd.s32 $0x10, s7;
	[dreg:$0x6] =	wrdreg s0;
	s20 =	sadd.s32 $0x7C0, s7  }
0x14: {  	v0 =	vimm.f32 $0.0e+00;
	s0 =	simm.s32 $0x4;
	[dreg:$0x4] =	wrdreg s25;
	s25 =	simm.s32 $0x18100  }
.LBB2_1:
0x15: {  	[tilespmem:s21], [sflag:$0x1] =	stream.linear.gather [hbm4b:s7+s3], $0x80, $0x38;
	[tilespmem:$0x1D100] =	vst v63  }
0x16: {  	s2 =	rddreg [dreg:$0x4]  }
0x17: {  	[tilespmem:s22], [sflag:$0x2] =	stream.linear.gather [hbm4b:s2+s3], $0x80, $0x38;
	[tilespmem:$0x1D100] =	vst v63  }
0x18: {  	s12 =	rddreg [dreg:$0x5];
	s8 =	simm.s32 $0x14000  }
0x19: {  	[tilespmem:s8], [sflag:$0x5] =	stream.linear.gather [hbm4b:s12+s3], $0x3E80, $0x38;
	[tilespmem:$0x1D100] =	vst v63  }
0x1a: {  	_ =	swait.ge [sflag:s24], $0x3E80  }
0x1b: {  	[sflag:s24] =	ssyncset.done $0x0  }
0x1c: {  	s2 =	simm.s32 $0x70;
	s8 =	simm.s32 $0x3C0;
	[sflag:s24] =	ssyncadd.s32 $0xFFFFC180  }
.LBB2_2:
0x1d: {  	p0 =	sne.s32 s8, $0x9FC0;
	[tilespmem:s2+$0x18100] =	vst v0  }
0x1e: {  	[tilespmem:s2+$0x18090] =	vst v0  }
0x1f: {  	[tilespmem:s2+$0x180A0] =	vst v0  }
.Ltmp0:
0x20: {  	[tilespmem:s2+$0x180B0] =	vst v0;
	(pc) =	sbr.rel @p0 .LBB2_2-.Ltmp0, $4  }
0x21: {  	[tilespmem:s2+$0x180C0] =	vst v0  }
0x22: {  	[tilespmem:s2+$0x180D0] =	vst v0  }
0x23: {  	[tilespmem:s2+$0x180E0] =	vst v0  }
0x24: {  	[tilespmem:s2+$0x180F0] =	vst v0;
	s2 =	sshra.s32 s8, $0x2;
	s8 =	sadd.s32 $0x200, s8  }
0x25: {  	[tilespmem:s2+$0x18100] =	vst v0  }
0x26: {  	[tilespmem:s2+$0x18090] =	vst v0  }
0x27: {  	[tilespmem:s2+$0x180A0] =	vst v0  }
0x28: {  	[tilespmem:s2+$0x180B0] =	vst v0  }
0x29: {  	[tilespmem:s2+$0x180C0] =	vst v0  }
0x2a: {  	[tilespmem:s2+$0x180D0] =	vst v0  }
0x2b: {  	[tilespmem:s2+$0x180E0] =	vst v0  }
0x2c: {  	[tilespmem:s2+$0x180F0] =	vst v0  }
0x2d: {  	[spmem:s11] =	stream.linear.scatter [tilespmem:s25], [sflag:$0x5], $0x2800, $0x38;
	[tilespmem:$0x1D100] =	vst v63  }
0x2e: {  	_ =	swait.ge [sflag:s24], $0x2800  }
0x2f: {  	[sflag:s24] =	ssyncset.done $0x0  }
0x30: {  	[sflag:s24] =	ssyncadd.s32 $0xFFFFD800  }
0x31: {  	[spmem:s13] =	stream.linear.scatter [tilespmem:s25], [sflag:$0x5], $0x2800, $0x38;
	[tilespmem:$0x1D100] =	vst v63  }
0x32: {  	_ =	swait.ge [sflag:s24], $0x2800  }
0x33: {  	[sflag:s24] =	ssyncset.done $0x0  }
0x34: {  	[sflag:s24] =	ssyncadd.s32 $0xFFFFD800  }
0x35: {  	[spmem:s14] =	stream.linear.scatter [tilespmem:s25], [sflag:$0x5], $0x2800, $0x38;
	[tilespmem:$0x1D100] =	vst v63  }
0x36: {  	_ =	swait.ge [sflag:s24], $0x2800  }
0x37: {  	[sflag:s24] =	ssyncset.done $0x0  }
0x38: {  	[sflag:s24] =	ssyncadd.s32 $0xFFFFD800  }
0x39: {  	[spmem:s15] =	stream.linear.scatter [tilespmem:s25], [sflag:$0x5], $0x2800, $0x38;
	[tilespmem:$0x1D100] =	vst v63  }
0x3a: {  	_ =	swait.ge [sflag:s24], $0x2800  }
0x3b: {  	[sflag:s24] =	ssyncset.done $0x0  }
0x3c: {  	[sflag:s24] =	ssyncadd.s32 $0xFFFFD800  }
0x3d: {  	[spmem:s16] =	stream.linear.scatter [tilespmem:s25], [sflag:$0x5], $0x2800, $0x38;
	[tilespmem:$0x1D100] =	vst v63  }
0x3e: {  	_ =	swait.ge [sflag:s24], $0x2800  }
0x3f: {  	[sflag:s24] =	ssyncset.done $0x0  }
0x40: {  	[sflag:s24] =	ssyncadd.s32 $0xFFFFD800  }
0x41: {  	[spmem:s17] =	stream.linear.scatter [tilespmem:s25], [sflag:$0x5], $0x2800, $0x38;
	[tilespmem:$0x1D100] =	vst v63  }
0x42: {  	_ =	swait.ge [sflag:s24], $0x2800  }
0x43: {  	[sflag:s24] =	ssyncset.done $0x0  }
0x44: {  	[sflag:s24] =	ssyncadd.s32 $0xFFFFD800  }
0x45: {  	[spmem:s18] =	stream.linear.scatter [tilespmem:s25], [sflag:$0x5], $0x2800, $0x38;
	[tilespmem:$0x1D100] =	vst v63  }
0x46: {  	_ =	swait.ge [sflag:s24], $0x2800  }
0x47: {  	[sflag:s24] =	ssyncset.done $0x0  }
0x48: {  	[sflag:s24] =	ssyncadd.s32 $0xFFFFD800  }
0x49: {  	[spmem:s19] =	stream.linear.scatter [tilespmem:s25], [sflag:$0x5], $0x2800, $0x38;
	[tilespmem:$0x1D100] =	vst v63  }
0x4a: {  	_ =	swait.ge [sflag:s24], $0x2800  }
0x4b: {  	[sflag:s24] =	ssyncset.done $0x0  }
0x4c: {  	[sflag:s24] =	ssyncadd.s32 $0xFFFFD800  }
0x4d: {  	[bflag:$0x0] =	sbarrier.arrive $0xFFFF  }
0x4e: {  	_ =	swait.ge [sflag:s26], $0x80  }
0x4f: {  	[sflag:s26] =	ssyncset.done $0x0  }
0x50: {  	[sflag:s26] =	ssyncadd.s32 $0xFFFFFF80  }
0x51: {  	[tilespmem:s25], [sflag:$0x3] =	stream.indirect.gather [hbm4b:s4+s28], $0x80, s21, s28, $0xb8;
	[tilespmem:$0x1D100] =	vst v63  }
0x52: {  	s12 =	simm.s32 $0x100;
	_ =	swait.ge [sflag:s29], $0x80  }
0x53: {  	s8 =	sand.u32 $0x7C00, s12;
	[sflag:s29] =	ssyncset.done $0x0  }
0x54: {  	s2 =	sand.u32 $0x300, s12;
	s8 =	sadd.s32 s6, s8;
	[sflag:s29] =	ssyncadd.s32 $0xFFFFFF80  }
0x55: {  	[tilespmem:s30], [sflag:$0x4] =	stream.indirect.gather [hbm4b:s4+s28], $0x80, s22, s28, $0xb8;
	[tilespmem:$0x1D100] =	vst v63  }
0x56: {  	s2 =	sor.u32 s2, s8;
	_ =	swait.ge [sflag:s31], $0x2800  }
0x57: {  	s2 =	sshrl.u32 s2, $0x3;
	[sflag:s31] =	ssyncset.done $0x0  }
0x58: {  	s2 =	sadd.s32 s5, s2;
	[sflag:s31] =	ssyncadd.s32 $0xFFFFD800  }
0x59: {  	[tilespmem:s21], [sflag:$0x1] =	stream.linear.gather [hbm4b:s2+s3], $0x80, $0x38;
	[tilespmem:$0x1D100] =	vst v63  }
0x5a: {  	s9 =	simm.s32 $0x14000  }
0x5b: {  	[spmem:s1] =	stream.indirect.scatter.add.f32 [tilespmem:s25], [sflag:$0x5], $0x80, s9, s28, $0xb8;
	[tilespmem:$0x1D100] =	vst v63  }
0x5c: {  	_ =	swait.ge [sflag:s24], $0x2800  }
0x5d: {  	[sflag:s24] =	ssyncset.done $0x0  }
0x5e: {  	[sflag:s24] =	ssyncadd.s32 $0xFFFFD800  }
0x5f: {  	s10 =	simm.s32 $0x180;
	_ =	swait.ge [sflag:s26], $0x80  }
0x60: {  	s12 =	sand.u32 $0x7C00, s10;
	[sflag:s26] =	ssyncset.done $0x0  }
0x61: {  	s8 =	sadd.s32 s6, s12;
	s2 =	sand.u32 $0x380, s10;
	[sflag:s26] =	ssyncadd.s32 $0xFFFFFF80  }
0x62: {  	[tilespmem:s25], [sflag:$0x3] =	stream.indirect.gather [hbm4b:s4+s28], $0x80, s21, s28, $0xb8;
	[tilespmem:$0x1D100] =	vst v63  }
0x63: {  	s2 =	sor.u32 s2, s8;
	_ =	swait.ge [sflag:s0], $0x2800  }
0x64: {  	s2 =	sshrl.u32 s2, $0x3;
	[sflag:s0] =	ssyncset.done $0x0  }
0x65: {  	s2 =	sadd.s32 s5, s2;
	[sflag:s0] =	ssyncadd.s32 $0xFFFFD800  }
0x66: {  	[tilespmem:s22], [sflag:$0x2] =	stream.linear.gather [hbm4b:s2+s3], $0x80, $0x38;
	[tilespmem:$0x1D100] =	vst v63  }
0x67: {  	s2 =	simm.s32 $0x14080  }
0x68: {  	[spmem:s1] =	stream.indirect.scatter.add.f32 [tilespmem:s30], [sflag:$0x5], $0x80, s2, s28, $0xb8;
	[tilespmem:$0x1D100] =	vst v63  }
0x69: {  	s8 =	simm.s32 $0x280;
	_ =	swait.ge [sflag:s24], $0x2800  }
.LBB2_4:
0x6a: {  	p0 =	sne.s32 s8, $0x3D80;
	[sflag:s24] =	ssyncset.done $0x0;
	s2 =	sadd.s32 $0x100, s2  }
0x6b: {  	s9 =	smov.u32 s8;
	s8 =	sadd.s32 $0x100, s8;
	[sflag:s24] =	ssyncadd.s32 $0xFFFFD800  }
0x6c: {  	_ =	swait.ge [sflag:s29], $0x80  }
0x6d: {  	s10 =	sadd.s32 $0xFFFFFF80, s9;
	[sflag:s29] =	ssyncset.done $0x0  }
0x6e: {  	s12 =	sand.u32 $0x7C00, s10;
	s10 =	sand.u32 $0x300, s10;
	[sflag:s29] =	ssyncadd.s32 $0xFFFFFF80  }
0x6f: {  	[tilespmem:s30], [sflag:$0x4] =	stream.indirect.gather [hbm4b:s4+s28], $0x80, s22, s28, $0xb8;
	[tilespmem:$0x1D100] =	vst v63  }
0x70: {  	s12 =	sadd.s32 s6, s12;
	_ =	swait.ge [sflag:s31], $0x2800  }
0x71: {  	s10 =	sor.u32 s10, s12;
	[sflag:s31] =	ssyncset.done $0x0  }
0x72: {  	s10 =	sshrl.u32 s10, $0x3;
	[sflag:s31] =	ssyncadd.s32 $0xFFFFD800  }
0x73: {  	s12 =	sadd.s32 $0xFFFFFF80, s2;
	s10 =	sadd.s32 s5, s10  }
0x74: {  	[tilespmem:s21], [sflag:$0x1] =	stream.linear.gather [hbm4b:s10+s3], $0x80, $0x38;
	[tilespmem:$0x1D100] =	vst v63  }
0x75: {  	_ = 	snop  }
0x76: {  	[spmem:s1] =	stream.indirect.scatter.add.f32 [tilespmem:s25], [sflag:$0x5], $0x80, s12, s28, $0xb8;
	[tilespmem:$0x1D100] =	vst v63  }
0x77: {  	_ =	swait.ge [sflag:s24], $0x2800  }
0x78: {  	[sflag:s24] =	ssyncset.done $0x0  }
0x79: {  	[sflag:s24] =	ssyncadd.s32 $0xFFFFD800  }
0x7a: {  	_ =	swait.ge [sflag:s26], $0x80  }
0x7b: {  	s10 =	sand.u32 $0x7C00, s9;
	[sflag:s26] =	ssyncset.done $0x0  }
0x7c: {  	s9 =	sand.u32 $0x380, s9;
	s10 =	sadd.s32 s6, s10;
	[sflag:s26] =	ssyncadd.s32 $0xFFFFFF80  }
0x7d: {  	[tilespmem:s25], [sflag:$0x3] =	stream.indirect.gather [hbm4b:s4+s28], $0x80, s21, s28, $0xb8;
	[tilespmem:$0x1D100] =	vst v63  }
0x7e: {  	s9 =	sor.u32 s9, s10;
	_ =	swait.ge [sflag:s0], $0x2800  }
0x7f: {  	s9 =	sshrl.u32 s9, $0x3;
	[sflag:s0] =	ssyncset.done $0x0  }
.Ltmp1:
0x80: {  	s9 =	sadd.s32 s5, s9;
	[sflag:s0] =	ssyncadd.s32 $0xFFFFD800;
	(pc) =	sbr.rel @p0 .LBB2_4-.Ltmp1, $4  }
0x81: {  	[tilespmem:s22], [sflag:$0x2] =	stream.linear.gather [hbm4b:s9+s3], $0x80, $0x38;
	[tilespmem:$0x1D100] =	vst v63  }
0x82: {  	_ = 	snop  }
0x83: {  	[spmem:s1] =	stream.indirect.scatter.add.f32 [tilespmem:s30], [sflag:$0x5], $0x80, s2, s28, $0xb8;
	[tilespmem:$0x1D100] =	vst v63  }
0x84: {  	_ =	swait.ge [sflag:s24], $0x2800  }
0x85: {  	[sflag:s24] =	ssyncset.done $0x0  }
0x86: {  	[sflag:s24] =	ssyncadd.s32 $0xFFFFD800  }
0x87: {  	_ =	swait.ge [sflag:s29], $0x80  }
0x88: {  	[sflag:s29] =	ssyncset.done $0x0  }
0x89: {  	[sflag:s29] =	ssyncadd.s32 $0xFFFFFF80  }
0x8a: {  	[tilespmem:s30], [sflag:$0x4] =	stream.indirect.gather [hbm4b:s4+s28], $0x80, s22, s28, $0xb8;
	[tilespmem:$0x1D100] =	vst v63  }
0x8b: {  	_ =	swait.ge [sflag:s31], $0x2800  }
0x8c: {  	[sflag:s31] =	ssyncset.done $0x0  }
0x8d: {  	[sflag:s31] =	ssyncadd.s32 $0xFFFFD800  }
0x8e: {  	[tilespmem:s21], [sflag:$0x1] =	stream.linear.gather [hbm4b:s20+s3], $0x80, $0x38;
	[tilespmem:$0x1D100] =	vst v63  }
0x8f: {  	s2 =	simm.s32 $0x17D00  }
0x90: {  	[spmem:s1] =	stream.indirect.scatter.add.f32 [tilespmem:s25], [sflag:$0x5], $0x80, s2, s28, $0xb8;
	[tilespmem:$0x1D100] =	vst v63  }
0x91: {  	_ =	swait.ge [sflag:s24], $0x2800  }
0x92: {  	[sflag:s24] =	ssyncset.done $0x0  }
0x93: {  	[sflag:s24] =	ssyncadd.s32 $0xFFFFD800  }
0x94: {  	_ =	swait.ge [sflag:s26], $0x80  }
0x95: {  	[sflag:s26] =	ssyncset.done $0x0  }
0x96: {  	[sflag:s26] =	ssyncadd.s32 $0xFFFFFF80  }
0x97: {  	[tilespmem:s25], [sflag:$0x3] =	stream.indirect.gather [hbm4b:s4+s28], $0x80, s21, s28, $0xb8;
	[tilespmem:$0x1D100] =	vst v63  }
0x98: {  	_ =	swait.ge [sflag:s0], $0x2800  }
0x99: {  	[sflag:s0] =	ssyncset.done $0x0  }
0x9a: {  	s8 =	simm.s32 $0x17D80;
	[sflag:s0] =	ssyncadd.s32 $0xFFFFD800  }
0x9b: {  	[spmem:s1] =	stream.indirect.scatter.add.f32 [tilespmem:s30], [sflag:$0x5], $0x80, s8, s28, $0xb8;
	[tilespmem:$0x1D100] =	vst v63  }
0x9c: {  	_ =	swait.ge [sflag:s24], $0x2800  }
0x9d: {  	[sflag:s24] =	ssyncset.done $0x0  }
0x9e: {  	[sflag:s24] =	ssyncadd.s32 $0xFFFFD800  }
0x9f: {  	_ =	swait.ge [sflag:s31], $0x2800  }
0xa0: {  	[sflag:s31] =	ssyncset.done $0x0  }
0xa1: {  	s9 =	simm.s32 $0x17E00;
	[sflag:s31] =	ssyncadd.s32 $0xFFFFD800  }
0xa2: {  	[spmem:s1] =	stream.indirect.scatter.add.f32 [tilespmem:s25], [sflag:$0x5], $0x80, s9, s28, $0xb8;
	[tilespmem:$0x1D100] =	vst v63  }
0xa3: {  	_ =	swait.ge [sflag:s24], $0x2800  }
0xa4: {  	[sflag:s24] =	ssyncset.done $0x0  }
0xa5: {  	s10 =	stileid.u32;
	[sflag:s24] =	ssyncadd.s32 $0xFFFFD800  }
0xa6: {  	s2 =	sshll.u32 s10, $0x6;
	[bflag:$0x0] =	sbarrier.arrive $0xFFFF  }
0xa7: {  	s2 =	sor.u32 $0x1C05, s2;
	s8 =	sshrl.u32 s11, $0x3;
	s9 =	rddreg [dreg:$0x6]  }
0xa8: {  	[hbm:s9], [sflag:s2] =	dma.local [spmem:s8], $0x2800  }
0xa9: {  	_ =	swait.ge [sflag:s24], $0x2800  }
0xaa: {  	s23 =	sadd.s32 $0x1, s23;
	s12 =	rddreg [dreg:$0x7]  }
0xab: {  	p0 =	sne.s32 s23, s12  }
.Ltmp2:
0xac: {  	_ = 	snop;
	(pc) =	sbr.rel @p0 .LBB2_1-.Ltmp2, $3  }
0xad: {  	_ =	sdelay $0x1  }
0xae: {  	[sflag:s24] =	ssyncset.done $0x0  }
0xaf: {  	[sflag:s24] =	ssyncadd.s32 $0xFFFFD800  }
0xb0: {  	_ =	sfence.sel $0x180000  }
0xb1: {  	[bflag:$0x0] =	sbarrier.arrive $0xFFFF  }
0xb2: {  	_ =	strace $0x9000004D  }
0xb3: {  	s0 =	stileid.u32;
	[bflag:$0x2] =	sbarrier.arrive $0xFFFF  }
0xb4: {  	p0 =	sne.s32 s0, $0x0;
	s0 =	rddreg [dreg:$0x3]  }
0xb5: {  	s0 =	sadd.s32 @!p0 $0x100000, s0  }
0xb6: {  	[sflag:s0] =	ssyncadd.tile.s32 @!p0 $0x1;
	_ =	shalt  }
.Lfunc_end2:
_tile_overlayer_lowered:
.L_overlay_start_2:
0xb7: {  	(tag) =	ssettag $0x2  }
0xb8: {  	s0 =	rddreg [dreg:$0x0];
	s2 =	stileid.u32  }
0xb9: {  	s1 =	rddreg [dreg:$0x1];
	p0 =	sne.s32 s2, $0x0  }
0xba: {  	s3 =	rddreg [dreg:$0x2];
	[bflag:$0x3] =	sbarrier.arrive $0xFFFF;
	s2 =	simm.s32 @!p0 $0x1C05  }
0xbb: {  	[timem:s3], [sflag:s2] =	dma.local @!p0 [hbm:s0], s1  }
0xbc: {  	s0 =	simm.s32 @!p0 $0x5  }
0xbd: {  	_ =	swait.ge @!p0 [sflag:s0], s1  }
0xbe: {  	s1 =	ssub.s32 @!p0 $0x0, s1;
	[sflag:s0] =	ssyncset.done @!p0 $0x0  }
0xbf: {  	[sflag:s0] =	ssyncadd.s32 @!p0 s1  }
0xc0: {  	[bflag:$0x3] =	sbarrier.arrive $0xFFFF  }
0xc1: {  	_ =	shalt  }

// kernel: kernel.8.cloned.1.call-start
scs
__scs_entry_jumppad:
0x0: {  	(pc) =	sbr.rel $0x88, $3  }
0x1: {  	(tag) =	ssettag $0x0;
	lr =	simm.s32 $0x1  }
0x2: {  	[smem:$0x3F9B] =	sst lr;
	_ =	strace $0xD0000000  }
0x3: {  	_ = 	snop  }
0x4: {  	_ = 	snop  }
0x5: {  	_ = 	snop  }
0x6: {  	_ = 	snop  }
0x7: {  	_ = 	snop  }
__scs_overlays_trampoline_lowered:
0x8: {  	[smem:$0x3FAA] =	sst s0  }
0x9: {  	[smem:$0x3FAB] =	sst s1  }
0xa: {  	[smem:$0x3FAC] =	sst s2  }
0xb: {  	[smem:$0x3FAD] =	sst s3  }
0xc: {  	[smem:$0x3FAE] =	sst s4  }
0xd: {  	[smem:$0x3FAF] =	sst s5  }
0xe: {  	[smem:$0x3FB0] =	sst s6  }
0xf: {  	[smem:$0x3FB1] =	sst s7  }
0x10: {  	[smem:$0x3FB2] =	sst s8  }
0x11: {  	[smem:$0x3FB3] =	sst s9;
	s0 =	simm.s32 @!p0 $0x0  }
0x12: {  	s1 =	sld [smem:$0x3F99];
	s0 =	simm.s32 @p0 $0x1  }
0x13: {  	[smem:$0x3FB4] =	sst s0;
	s0 =	simm.s32 @!p1 $0x0  }
0x14: {  	s2 =	sld [smem:$0x3F98];
	s0 =	simm.s32 @p1 $0x1  }
0x15: {  	[smem:$0x3FB5] =	sst s0;
	s0 =	simm.s32 @!p2 $0x0  }
0x16: {  	s3 =	sld [smem:$0x3FDB];
	s0 =	simm.s32 @p2 $0x1  }
0x17: {  	s4 =	simm.s32 $0x1BF5;
	[smem:$0x3FB7] =	sst s0  }
0x18: {  	s0 =	sld [smem:$0x3F9A];
	_ =	swait.ge [sflag:s4], $0x0  }
0x19: {  	s7 =	sld [smem:$0x3F9B]  }
0x1a: {  	s8 =	sadd.s32 $0xFFFFE003, lr  }
0x1b: {  	s9 =	sadd.s32 $0xFFFFFEF7, lr;
	s5 =	simm.s32 $0xFFFFFFFF;
	p2 =	slt.u32 s8, $0xFFFFF086  }
0x1c: {  	p1 =	slt.u32 s9, $0xF7A;
	s5 =	simm.s32 @!p2 $0x0  }
0x1d: {  	s5 =	simm.s32 @p1 $0x1;
	p0 =	seq.s32 s7, s2  }
0x1e: {  	s7 =	smul.u32 @!p0 $0xF7A, s2;
	p2 =	seq.s32 @!p0 s5, $0x0  }
0x1f: {  	s9 =	smul.u32 $0xF7A, s1;
	s8 =	simm.s32 @!p0 $0x1BF5;
	p2 =	por !p2, p0  }
0x20: {  	[sflag:s8] =	ssyncset.s32 @!p0 $0xFFFFF086;
	s6 =	sadd.s32 @!p0 s3, s7;
	s7 =	simm.s32 @!p0 $0x108  }
0x21: {  	s3 =	sadd.s32 s3, s9;
	s6 =	sadd.s32 @!p0 $0x88, s6;
	s7 =	simm.s32 @p2 $0x1082  }
0x22: {  	[simem:s7], [sflag:s8] =	dma.local @!p0 [hbm:s6], $0xF7A  }
0x23: {  	s9 =	sor.u32 $0xD0000000, s2;
	s6 =	simm.s32 $0x108;
	_ =	swait.ge @!p0 [sflag:s8], $0x0  }
0x24: {  	s3 =	sadd.s32 $0x88, s3;
	s6 =	simm.s32 @!p1 $0x1082;
	[sflag:s4] =	ssyncset.s32 $0xFFFFF086  }
0x25: {  	[simem:s6], [sflag:s4] =	dma.local [hbm:s3], $0xF7A  }
0x26: {  	[smem:$0x3F9B] =	sst s1;
	(tag) =	ssettag s2;
	_ =	strace s9  }
0x27: {  	s1 =	sld [smem:$0x3FAB]  }
0x28: {  	s2 =	sld [smem:$0x3FAC]  }
0x29: {  	s4 =	sld [smem:$0x3FAE]  }
0x2a: {  	p0 =	seq.s32 s5, $0x0;
	s5 =	sld [smem:$0x3FAF]  }
0x2b: {  	s6 =	sld [smem:$0x3FB0]  }
0x2c: {  	s7 =	sld [smem:$0x3FB1]  }
0x2d: {  	s3 =	simm.s32 $0x108;
	s8 =	sld [smem:$0x3FB2]  }
0x2e: {  	s3 =	simm.s32 @!p0 $0x1082;
	s9 =	sld [smem:$0x3FB3]  }
0x2f: {  	lr =	sadd.s32 s0, s3;
	s0 =	sld [smem:$0x3FAA]  }
0x30: {  	s3 =	sld [smem:$0x3FAD]  }
0x31: {  	[smem:$0x3FB6] =	sst s10  }
0x32: {  	s10 =	sld [smem:$0x3FB4];
	_ =	sdelay $0x3  }
0x33: {  	p0 =	seq.s32 s10, $0x1;
	s10 =	sld [smem:$0x3FB6];
	_ =	sdelay $0x3  }
0x34: {  	[smem:$0x3FB6] =	sst s10  }
0x35: {  	s10 =	sld [smem:$0x3FB5];
	_ =	sdelay $0x3  }
0x36: {  	p1 =	seq.s32 s10, $0x1;
	s10 =	sld [smem:$0x3FB6];
	_ =	sdelay $0x3  }
0x37: {  	[smem:$0x3FB6] =	sst s10  }
0x38: {  	s10 =	sld [smem:$0x3FB7]  }
0x39: {  	_ = 	snop;
	(pc) =	sbr.ind lr, $3  }
0x3a: {  	_ = 	snop  }
0x3b: {  	_ = 	snop  }
0x3c: {  	p2 =	seq.s32 s10, $0x1;
	s10 =	sld [smem:$0x3FB6]  }
0x3d: {  	_ =	shalt  }
0x3e: {  	_ =	shalt  }
0x3f: {  	_ =	shalt  }
0x40: {  	_ =	shalt  }
0x41: {  	_ =	shalt  }
0x42: {  	_ =	shalt  }
0x43: {  	_ =	shalt  }
0x44: {  	_ =	shalt  }
0x45: {  	_ =	shalt  }
0x46: {  	_ =	shalt  }
0x47: {  	_ =	shalt  }
0x48: {  	_ =	shalt  }
0x49: {  	_ =	shalt  }
0x4a: {  	_ =	shalt  }
0x4b: {  	_ =	shalt  }
0x4c: {  	_ =	shalt  }
0x4d: {  	_ =	shalt  }
0x4e: {  	_ =	shalt  }
0x4f: {  	_ =	shalt  }
0x50: {  	_ =	shalt  }
0x51: {  	_ =	shalt  }
0x52: {  	_ =	shalt  }
0x53: {  	_ =	shalt  }
0x54: {  	_ =	shalt  }
0x55: {  	_ =	shalt  }
0x56: {  	_ =	shalt  }
0x57: {  	_ =	shalt  }
0x58: {  	_ =	shalt  }
0x59: {  	_ =	shalt  }
0x5a: {  	_ =	shalt  }
0x5b: {  	_ =	shalt  }
0x5c: {  	_ =	shalt  }
0x5d: {  	_ =	shalt  }
0x5e: {  	_ =	shalt  }
0x5f: {  	_ =	shalt  }
0x60: {  	_ =	shalt  }
0x61: {  	_ =	shalt  }
0x62: {  	_ =	shalt  }
0x63: {  	_ =	shalt  }
0x64: {  	_ =	shalt  }
0x65: {  	_ =	shalt  }
0x66: {  	_ =	shalt  }
0x67: {  	_ =	shalt  }
0x68: {  	_ =	shalt  }
0x69: {  	_ =	shalt  }
0x6a: {  	_ =	shalt  }
0x6b: {  	_ =	shalt  }
0x6c: {  	_ =	shalt  }
0x6d: {  	_ =	shalt  }
0x6e: {  	_ =	shalt  }
0x6f: {  	_ =	shalt  }
0x70: {  	_ =	shalt  }
0x71: {  	_ =	shalt  }
0x72: {  	_ =	shalt  }
0x73: {  	_ =	shalt  }
0x74: {  	_ =	shalt  }
0x75: {  	_ =	shalt  }
0x76: {  	_ =	shalt  }
0x77: {  	_ =	shalt  }
0x78: {  	_ =	shalt  }
0x79: {  	_ =	shalt  }
0x7a: {  	_ =	shalt  }
0x7b: {  	_ =	shalt  }
0x7c: {  	_ =	shalt  }
0x7d: {  	_ =	shalt  }
0x7e: {  	_ =	shalt  }
0x7f: {  	_ =	shalt  }
0x80: {  	_ =	shalt  }
0x81: {  	_ =	shalt  }
0x82: {  	_ =	shalt  }
0x83: {  	_ =	shalt  }
0x84: {  	_ =	shalt  }
0x85: {  	_ =	shalt  }
0x86: {  	_ =	shalt  }
0x87: {  	_ =	shalt  }
.Lfunc_end0:
.L_simem_size_0:
called_computation_lowered:
.L_overlay_start_0:
0x88: {  	s2 =	sld [smem:$0x3FD9]  }
0x89: {  	s3 =	sld [smem:$0x3FFE];
	_ =	sdelay $0x1  }
0x8a: {  	s1 =	srdreg.scid  }
0x8b: {  	s0 =	sand.u32 $0x1, s1  }
0x8c: {  	s17 =	sshll.u32 s0, $0xA;
	s2 =	sadd.s32 s3, s2  }
0x8d: {  	s2 =	sadd.s32 s2, s17  }
0x8e: {  	[smem:$0x3FC2] =	sst s2  }
0x8f: {  	_ = 	snop  }
0x90: {  	s2 =	sld [smem:$0x3FD0];
	(tm) =	ssettm $0x1  }
0x91: {  	s18 =	sld [smem:$0x3FFB];
	_ =	sdelay $0x3  }
0x92: {  	_ =	strace s18  }
0x93: {  	s3 =	sld [smem:$0x3FFC];
	_ =	sdelay $0x3  }
0x94: {  	_ =	strace s3  }
0x95: {  	s3 =	sld [smem:$0x3FFD];
	_ =	sdelay $0x3  }
0x96: {  	_ =	strace s3  }
0x97: {  	_ =	strace $0x8FFFFFFF  }
0x98: {  	s19 =	sld [smem:$0x3FDB];
	_ =	sdelay $0x1  }
0x99: {  	s4 =	simm.s32 $_scs_section_size  }
0x9a: {  	s5 =	simm.s32 $_size__tile_overlayer_lowered;
	s6 =	simm.s32 $_tile_overlayer_lowered  }
0x9b: {  	s22 =	simm.s32 $0x1BFF;
	s21 =	sshll.u32 s6, $0x1;
	s3 =	sadd.s32 s4, s19  }
0x9c: {  	s7 =	simm.s32 $0x0;
	s20 =	sshll.u32 s5, $0x1;
	s5 =	sadd.s32 s21, s3  }
0x9d: {  	[timem:s7], [sflag:s22] =	dma.local [hbm:s5], s20  }
0x9e: {  	_ =	swait.ge [sflag:s22], s20  }
0x9f: {  	s4 =	ssub.s32 $0x0, s20;
	[sflag:s22] =	ssyncset.done $0x0  }
0xa0: {  	[sflag:s22] =	ssyncadd.s32 s4;
	_ =	sdelay $0x1  }
0xa1: {  	s23 =	simm.s32 $0x1B8B  }
0xa2: {  	_ =	swait.ge [sflag:s23], $0x1  }
0xa3: {  	[sflag:s23] =	ssyncset.done $0x0  }
0xa4: {  	s25 =	simm.s32 $0x1B8E;
	s24 =	sld [smem:$0x3FFE];
	[sflag:s23] =	ssyncadd.s32 $0xFFFFFFFF  }
0xa5: {  	s26 =	simm.s32 $execute0_lowered;
	[smem:$0x3FD2] =	sst s25  }
0xa6: {  	s5 =	sshll.u32 s26, $0x1;
	_ =	strace $0x80000046;
	[dreg:$0x1] =	wrdreg $0xFFFFFFFF  }
0xa7: {  	s28 =	simm.s32 $_size_execute0_lowered;
	s3 =	sadd.s32 s3, s5;
	[dreg:$0x0] =	wrdreg $0x0  }
0xa8: {  	s5 =	sshll.u32 s28, $0x1;
	[dreg:$0x2] =	wrdreg s3  }
0xa9: {  	[dreg:$0x3] =	wrdreg s5  }
0xaa: {  	[dreg:$0x4] =	wrdreg $0xC0  }
0xab: {  	_ =	task [dreg:s7], $0x5FFFF  }
0xac: {  	[dreg:$0x1] =	wrdreg $0xFFFFFFFF  }
0xad: {  	[dreg:$0x0] =	wrdreg $0x60  }
0xae: {  	[dreg:$0x2] =	wrdreg s2  }
0xaf: {  	[dreg:$0x3] =	wrdreg s24  }
0xb0: {  	[dreg:$0x4] =	wrdreg $0x9  }
0xb1: {  	_ =	task.clear_ibuf [dreg:s7], $0x5FFFF;
	_ =	strace $0x90000046  }
0xb2: {  	s29 =	simm.s32 $0x9;
	_ =	strace $0x80000048  }
0xb3: {  	_ =	swait.ge [sflag:s29], $0x1  }
0xb4: {  	[sflag:s29] =	ssyncadd.s32 $0xFFFFFFFF  }
0xb5: {  	_ =	strace $0x90000048  }
0xb6: {  	_ =	sfence  }
0xb7: {  	s30 =	sld [smem:$0x0];
	_ =	sdelay $0x2  }
0xb8: {  	s31 =	sshll.u32 s1, $0xD;
	s1 =	sshrl.u32 s1, $0x2  }
0xb9: {  	s3 =	sand.u32 $0x4000, s31;
	s1 =	sadd.s32 s1, s30  }
0xba: {  	s0 =	sor.u32 s3, s0;
	s1 =	sshll.u32 s1, $0x11  }
0xbb: {  	s0 =	sor.u32 s1, s0  }
0xbc: {  	s0 =	sadd.s32 $0x8F2B, s0  }
0xbd: {  	[sflag:s0] =	ssyncadd.remote.s32 $0x1  }
0xbe: {  	_ =	sfence.sel $0xFFFF  }
0xbf: {  	[dreg:$0x0] =	wrdreg $0xFFFFFFFF;
	(pc) =	sbr.abs _section_cstart, $3  }
0xc0: {  	[dreg:$0x1] =	wrdreg $0xFFFFFFFF  }
0xc1: {  	_ =	task.clear_ibuf [dreg:s7], $0x2FFFF;
	_ =	strace $0x9FFFFFFF  }
0xc2: {  	(tm) =	ssettm $0x7FFFFFFF  }
0xc3: {  	_ =	shalt  }
tec
execute0_lowered:
.L_overlay_start_1:
0x0: {  	(tag) =	ssettag $0x1  }
0x1: {  	s0 =	srdreg.scid;
	s3 =	rddreg [dreg:$0x0]  }
0x2: {  	s5 =	rddreg [dreg:$0x1];
	s1 =	stileid.u32;
	s4 =	sand.u32 $0x1, s0  }
0x3: {  	s2 =	simm.s32 $0x0;
	s0 =	rddreg [dreg:$0x2];
	s6 =	sshll.u32 s4, $0x4  }
0x4: {  	[smem:$0x7FF] =	sst s2;
	s4 =	ssub.s32 $0x2, s4;
	s6 =	sor.u32 s1, s6  }
0x5: {  	_ =	strace $0x80000047;
	s8 =	sshrl.u32 s4, $0x1;
	s7 =	smul.u32 $0x4F0, s6  }
0x6: {  	s30 =	ssub.s32 s4, s8;
	s31 =	sshll.u32 s6, $0xB;
	s6 =	simm.s32 $0x1  }
0x7: {  	s8 =	simm.s32 $0x0;
	s3 =	sadd.s32 s3, s31;
	s5 =	sadd.s32 s7, s5  }
0x8: {  	v0 =	vimm.f32 $0.0e+00;
	v1 =	vimm.f32 $1.000000000e+00;
	s7 =	simm.s32 $0x4000;
	s4 =	sadd.s32 $0x2600, s5;
	s5 =	smax.u32 s30, $0x1  }
.LBB2_1:
0x9: {  	[tilespmem:s2], [sflag:$0x1] =	stream.linear.gather [hbm4b:s3+s2], $0x3E80, $0x38;
	[tilespmem:$0x6780] =	vst v63  }
0xa: {  	_ =	swait.ge [sflag:s6], $0x3E80  }
0xb: {  	[sflag:s6] =	ssyncset.done $0x0  }
0xc: {  	s9 =	simm.s32 $0x0;
	[sflag:s6] =	ssyncadd.s32 $0xFFFFC180  }
.LBB2_2:
0xd: {  	p0 =	sne.s32 s9, $0x9C00  }
.Ltmp0:
0xe: {  	_ = 	snop;
	(pc) =	sbr.rel @p0 .LBB2_2-.Ltmp0, $3  }
0xf: {  	_ =	sdelay $0x1  }
0x10: {  	s10 =	sshra.s32 s9, $0x2  }
0x11: {  	s9 =	sadd.s32 $0x40, s9;
	[tilespmem:s10+$0x4000] =	vst v0  }
0x12: {  	s9 =	simm.s32 $0x100  }
.LBB2_4:
0x13: {  	s10 =	sshra.s32 s9, $0x2  }
0x14: {  	v2 =	vld [tilespmem:s10+$0xFFFFFFC0];
	_ =	sdelay $0x7  }
0x15: {  	[tilespmem:v2+s7+$0x0] =	vst.idx.add.f32.msk $0xffff, v1  }
0x16: {  	v2 =	vld [tilespmem:s10+$0xFFFFFFD0];
	_ =	sdelay $0x7  }
0x17: {  	[tilespmem:v2+s7+$0x0] =	vst.idx.add.f32.msk $0xffff, v1  }
0x18: {  	v2 =	vld [tilespmem:s10+$0xFFFFFFE0];
	_ =	sdelay $0x7  }
0x19: {  	[tilespmem:v2+s7+$0x0] =	vst.idx.add.f32.msk $0xffff, v1  }
0x1a: {  	v2 =	vld [tilespmem:s10+$0xFFFFFFF0];
	_ =	sdelay $0x7  }
0x1b: {  	[tilespmem:v2+s7+$0x0] =	vst.idx.add.f32.msk $0xffff, v1  }
0x1c: {  	v2 =	vld [tilespmem:s10+$0x0];
	_ =	sdelay $0x2  }
0x1d: {  	p0 =	sne.s32 s9, $0xF900  }
.Ltmp1:
0x1e: {  	_ = 	snop;
	(pc) =	sbr.rel @p0 .LBB2_4-.Ltmp1, $2  }
0x1f: {  	_ =	sdelay $0x2  }
0x20: {  	s9 =	sadd.s32 $0x200, s9;
	[tilespmem:v2+s7+$0x0] =	vst.idx.add.f32.msk $0xffff, v1  }
0x21: {  	s8 =	sadd.s32 $0x1, s8  }
0x22: {  	p0 =	sne.s32 s8, s5  }
.Ltmp2:
0x23: {  	_ = 	snop;
	(pc) =	sbr.rel @p0 .LBB2_1-.Ltmp2, $4  }
0x24: {  	[hbm4b:s4+s2] =	stream.linear.scatter [tilespmem:s7], [sflag:$0x1], $0x2780, $0x38;
	[tilespmem:$0x6780] =	vst v63  }
0x25: {  	_ =	swait.ge [sflag:s6], $0x2780  }
0x26: {  	[sflag:s6] =	ssyncset.done $0x0  }
0x27: {  	[sflag:s6] =	ssyncadd.s32 $0xFFFFD880  }
0x28: {  	_ =	sfence.sel $0x180000  }
0x29: {  	[bflag:$0x0] =	sbarrier.arrive $0xFFFF  }
0x2a: {  	p0 =	sne.s32 s1, $0x0;
	_ =	strace $0x90000047  }
0x2b: {  	s0 =	sadd.s32 @!p0 $0x100000, s0;
	[bflag:$0x2] =	sbarrier.arrive $0xFFFF  }
0x2c: {  	[sflag:s0] =	ssyncadd.tile.s32 @!p0 $0x1;
	_ =	shalt  }
.Lfunc_end2:
_tile_overlayer_lowered:
.L_overlay_start_2:
0x2d: {  	(tag) =	ssettag $0x2  }
0x2e: {  	s0 =	rddreg [dreg:$0x0];
	s2 =	stileid.u32  }
0x2f: {  	s1 =	rddreg [dreg:$0x1];
	p0 =	sne.s32 s2, $0x0  }
0x30: {  	s3 =	rddreg [dreg:$0x2];
	[bflag:$0x3] =	sbarrier.arrive $0xFFFF;
	s2 =	simm.s32 @!p0 $0x1C01  }
0x31: {  	[timem:s3], [sflag:s2] =	dma.local @!p0 [hbm:s0], s1  }
0x32: {  	s0 =	simm.s32 @!p0 $0x1  }
0x33: {  	_ =	swait.ge @!p0 [sflag:s0], s1  }
0x34: {  	s1 =	ssub.s32 @!p0 $0x0, s1;
	[sflag:s0] =	ssyncset.done @!p0 $0x0  }
0x35: {  	[sflag:s0] =	ssyncadd.s32 @!p0 s1  }
0x36: {  	[bflag:$0x3] =	sbarrier.arrive $0xFFFF  }
0x37: {  	_ =	shalt  }

</sc_bundles>
